<compile_context>
chip_gen: v7x
topology: tpu7x:2x2x1
jax: 0.10.2.dev20260603
libtpu: 0.0.44.dev20260713+nightly
codegen_flags: <defaults>
</compile_context>

<pallas_src>
import functools

import jax
import jax.numpy as jnp
from jax import lax
from jax.experimental import pallas as pl
from jax.experimental.pallas import tpu as pltpu
from jax.experimental.pallas import tpu_sc as plsc

_NC = 2
_NS = 16
_NW = _NC * _NS
_L = 16

_CS = 8


def _sc_body(seq, d, batch, x_ref, pos_ref, out_ref, pos_v, x_v, sems):
    wid = lax.axis_index("s") * _NC + lax.axis_index("c")
    sp = seq // _NW
    base = wid * sp
    n_chunks = sp // _CS

    def in_copies(ci, slot):
        row = base + ci * _CS
        hp = pltpu.make_async_copy(
            pos_ref.at[pl.ds(row, _CS), :], pos_v.at[slot], sems.at[slot, 0]
        )
        hx = pltpu.make_async_copy(
            x_ref.at[:, pl.ds(row, _CS), :], x_v.at[slot], sems.at[slot, 1]
        )
        return hp, hx

    def out_copy(ci, slot):
        row = base + ci * _CS
        return pltpu.make_async_copy(
            x_v.at[slot], out_ref.at[:, pl.ds(row, _CS), :], sems.at[slot, 2]
        )

    def issue_in(ci, slot):
        hp, hx = in_copies(ci, slot)
        hp.start()
        hx.start()

    issue_in(0, 0)

    def chunk_step(ci, carry):
        slot = lax.rem(ci, 2)
        nxt = 1 - slot

        @pl.when(ci + 1 < n_chunks)
        def _prefetch():
            @pl.when(ci >= 1)
            def _drain_prev_out():
                out_copy(ci - 1, nxt).wait()

            issue_in(ci + 1, nxt)

        hp, hx = in_copies(ci, slot)
        hp.wait()
        hx.wait()

        def add_group(c, _):
            for r in range(_CS):
                pv = pos_v[slot, r, pl.ds(c, _L)]
                for b in range(batch):
                    x_v[slot, b, r, pl.ds(c, _L)] = (
                        x_v[slot, b, r, pl.ds(c, _L)] + pv
                    )
            return ()

        plsc.parallel_loop(0, d, _L, unroll=4, carry=())(add_group)
        out_copy(ci, slot).start()
        return carry

    lax.fori_loop(0, n_chunks, chunk_step, 0)

    out_copy(n_chunks - 2, (n_chunks - 2) % 2).wait()
    out_copy(n_chunks - 1, (n_chunks - 1) % 2).wait()


def kernel(x, pos_embedding):
    batch, seq, d = x.shape
    mesh = plsc.VectorSubcoreMesh(core_axis_name="c", subcore_axis_name="s")
    k = pl.kernel(
        functools.partial(_sc_body, seq, d, batch),
        out_type=jax.ShapeDtypeStruct((batch, seq, d), x.dtype),
        mesh=mesh,
        scratch_types=[
            pltpu.VMEM((2, _CS, d), jnp.float32),
            pltpu.VMEM((2, batch, _CS, d), jnp.float32),
            pltpu.SemaphoreType.DMA((2, 3)),
        ],
    )
    return k(x, pos_embedding)

# --- scband reference (transcript-rebuilt; emitter-appended) ---
"""Pipeline reference for scband-positional-encoding-44650480009685 (READ-ONLY COPY).

The authoritative reference and input builder live on the scoring server;
editing this copy changes nothing except your own understanding.
"""

import jax, jax.numpy as jnp
import numpy as np

SEQUENCE_LENGTH = 8192
D_MODEL = 1024
BATCH = 4

def setup_inputs(seed: int = 0) -> dict:
    key = jax.random.key(seed)
    k_x, k_emb = jax.random.split(key)
    x = jax.random.normal(k_x, (BATCH, SEQUENCE_LENGTH, D_MODEL), dtype=jnp.float32)
    # learned positional embedding table (nn.Embedding default init ~ N(0,1))
    pos_embedding = jax.random.normal(k_emb, (SEQUENCE_LENGTH, D_MODEL), dtype=jnp.float32)
    return {"x": x, "pos_embedding": pos_embedding}

def reference(x, pos_embedding):
    # PositionalEncoding.forward (eval mode: dropout is identity)
    batch_size, sequence_length, d_model = x.shape
    positions = jnp.arange(sequence_length)  # [S]
    positions = positions[None, :]           # [1, S]
    pos_emb = jnp.take(pos_embedding, positions, axis=0)  # [1, S, D]
    out = x + pos_emb
    return out

if __name__ == "__main__":
    import jax
    _d = setup_inputs()
    print(jax.jit(kernel)(*tuple(_d.values())))

</pallas_src>

<mosaic_0001>
#map = affine_map<(d0, d1) -> (0, 0, 0)>
#map1 = affine_map<(d0, d1) -> (0, 0)>
module attributes {stable_mosaic.version = 14 : i64} {
  func.func @_sc_body(%arg0: i32, %arg1: i32, %arg2: memref<4x8192x1024xf32, #tpu.memory_space<hbm>>, %arg3: memref<8192x1024xf32, #tpu.memory_space<hbm>>, %arg4: memref<4x8192x1024xf32, #tpu.memory_space<hbm>>, %arg5: memref<2x8x1024xf32, #tpu.memory_space<vmem>>, %arg6: memref<2x4x8x1024xf32, #tpu.memory_space<vmem>>, %arg7: memref<2x3x!tpu.dma_semaphore, #tpu.memory_space<semaphore_mem>>) attributes {dimension_semantics = [#tpu.dimension_semantics<core_parallel>, #tpu.dimension_semantics<subcore_parallel>], iteration_bounds = array<i64: 2, 16>, scalar_prefetch = 0 : i64, scratch_operands = 3 : i64, tpu.core_type = #tpu.core_type<sc_vector_subcore>, window_params = [{transform_indices = #map}, {transform_indices = #map1}, {transform_indices = #map}]} {
    %mul3A = arith.constant 2 : i32
    %mul3A_0 = arith.muli %arg1, %mul3A : i32
    %add3A = arith.addi %mul3A_0, %arg0 : i32
    %mul3A_1 = arith.constant 256 : i32
    %mul3A_2 = arith.muli %add3A, %mul3A_1 : i32
    %add3A_3 = arith.constant 0 : i32
    %add3A_4 = arith.addi %mul3A_2, %add3A_3 : i32
    %dma_start3A = arith.constant 0 : i32
    %dma_start3A_5 = arith.constant 0 : i32
    %dma_start3A_6 = arith.constant 0 : i32
    %dma_start3A_7 = arith.constant 0 : i32
    %dma_start3A_8 = arith.constant 0 : i32
    %dma_start3A_9 = tpu.memref_slice %arg5[%dma_start3A, %dma_start3A_7, %dma_start3A_8] : memref<2x8x1024xf32, #tpu.memory_space<vmem>> -> memref<1x8x1024xf32, #tpu.memory_space<vmem>>
    %dma_start3A_10 = tpu.memref_squeeze %dma_start3A_9 : memref<1x8x1024xf32, #tpu.memory_space<vmem>> -> memref<8x1024xf32, #tpu.memory_space<vmem>>
    %dma_start3A_11 = arith.constant 0 : i32
    %dma_start3A_12 = tpu.memref_slice %arg3[%add3A_4, %dma_start3A_11] : memref<8192x1024xf32, #tpu.memory_space<hbm>> -> memref<8x1024xf32, #tpu.memory_space<hbm>>
    %dma_start3A_13 = tpu.memref_slice %arg7[%dma_start3A_5, %dma_start3A_6] : memref<2x3x!tpu.dma_semaphore, #tpu.memory_space<semaphore_mem>> -> memref<1x1x!tpu.dma_semaphore, #tpu.memory_space<semaphore_mem>>
    %dma_start3A_14 = tpu.memref_squeeze %dma_start3A_13 : memref<1x1x!tpu.dma_semaphore, #tpu.memory_space<semaphore_mem>> -> memref<!tpu.dma_semaphore, #tpu.memory_space<semaphore_mem>>
    %dma_start3A_15 = arith.constant 0 : i32
    %dma_start3A_16 = arith.constant 0 : i32
    %dma_start3A_17 = tpu.memref_slice %arg5[%dma_start3A, %dma_start3A_15, %dma_start3A_16] : memref<2x8x1024xf32, #tpu.memory_space<vmem>> -> memref<1x8x1024xf32, #tpu.memory_space<vmem>>
    %dma_start3A_18 = tpu.memref_squeeze %dma_start3A_17 : memref<1x8x1024xf32, #tpu.memory_space<vmem>> -> memref<8x1024xf32, #tpu.memory_space<vmem>>
    %dma_start3A_19 = arith.constant 0 : i32
    %dma_start3A_20 = tpu.memref_slice %arg3[%add3A_4, %dma_start3A_19] : memref<8192x1024xf32, #tpu.memory_space<hbm>> -> memref<8x1024xf32, #tpu.memory_space<hbm>>
    tpu.enqueue_dma source(%dma_start3A_20 : memref<8x1024xf32, #tpu.memory_space<hbm>>) target(%dma_start3A_18 : memref<8x1024xf32, #tpu.memory_space<vmem>>) target_semaphore(%dma_start3A_14 : memref<!tpu.dma_semaphore, #tpu.memory_space<semaphore_mem>>)
    %dma_start3A_21 = arith.constant 0 : i32
    %dma_start3A_22 = arith.constant 0 : i32
    %dma_start3A_23 = arith.constant 1 : i32
    %dma_start3A_24 = arith.constant 0 : i32
    %dma_start3A_25 = arith.constant 0 : i32
    %dma_start3A_26 = arith.constant 0 : i32
    %dma_start3A_27 = tpu.memref_slice %arg6[%dma_start3A_21, %dma_start3A_24, %dma_start3A_25, %dma_start3A_26] : memref<2x4x8x1024xf32, #tpu.memory_space<vmem>> -> memref<1x4x8x1024xf32, #tpu.memory_space<vmem>>
    %dma_start3A_28 = tpu.memref_squeeze %dma_start3A_27 : memref<1x4x8x1024xf32, #tpu.memory_space<vmem>> -> memref<4x8x1024xf32, #tpu.memory_space<vmem>>
    %dma_start3A_29 = arith.constant 0 : i32
    %dma_start3A_30 = arith.constant 0 : i32
    %dma_start3A_31 = tpu.memref_slice %arg2[%dma_start3A_29, %add3A_4, %dma_start3A_30] : memref<4x8192x1024xf32, #tpu.memory_space<hbm>> -> memref<4x8x1024xf32, #tpu.memory_space<hbm>>
    %dma_start3A_32 = tpu.memref_slice %arg7[%dma_start3A_22, %dma_start3A_23] : memref<2x3x!tpu.dma_semaphore, #tpu.memory_space<semaphore_mem>> -> memref<1x1x!tpu.dma_semaphore, #tpu.memory_space<semaphore_mem>>
    %dma_start3A_33 = tpu.memref_squeeze %dma_start3A_32 : memref<1x1x!tpu.dma_semaphore, #tpu.memory_space<semaphore_mem>> -> memref<!tpu.dma_semaphore, #tpu.memory_space<semaphore_mem>>
    %dma_start3A_34 = arith.constant 0 : i32
    %dma_start3A_35 = arith.constant 0 : i32
    %dma_start3A_36 = arith.constant 0 : i32
    %dma_start3A_37 = tpu.memref_slice %arg6[%dma_start3A_21, %dma_start3A_34, %dma_start3A_35, %dma_start3A_36] : memref<2x4x8x1024xf32, #tpu.memory_space<vmem>> -> memref<1x4x8x1024xf32, #tpu.memory_space<vmem>>
    %dma_start3A_38 = tpu.memref_squeeze %dma_start3A_37 : memref<1x4x8x1024xf32, #tpu.memory_space<vmem>> -> memref<4x8x1024xf32, #tpu.memory_space<vmem>>
    %dma_start3A_39 = arith.constant 0 : i32
    %dma_start3A_40 = arith.constant 0 : i32
    %dma_start3A_41 = tpu.memref_slice %arg2[%dma_start3A_39, %add3A_4, %dma_start3A_40] : memref<4x8192x1024xf32, #tpu.memory_space<hbm>> -> memref<4x8x1024xf32, #tpu.memory_space<hbm>>
    tpu.enqueue_dma source(%dma_start3A_41 : memref<4x8x1024xf32, #tpu.memory_space<hbm>>) target(%dma_start3A_38 : memref<4x8x1024xf32, #tpu.memory_space<vmem>>) target_semaphore(%dma_start3A_33 : memref<!tpu.dma_semaphore, #tpu.memory_space<semaphore_mem>>)
    %scan3A = arith.constant 0 : i32
    %scan3A_42 = arith.constant 0 : i32
    %scan3A_43 = arith.constant 32 : i32
    %scan3A_44 = arith.addi %scan3A_42, %scan3A_43 : i32
    %scan3A_45 = arith.constant 1 : i32
    scf.for %scan3A_92 = %scan3A_42 to %scan3A_44 step %scan3A_45  : i32 {
      %rem3A = arith.constant 2 : i32
      %rem3A_93 = arith.remsi %scan3A_92, %rem3A : i32
      %sub3A = arith.constant 1 : i32
      %sub3A_94 = arith.subi %sub3A, %rem3A_93 : i32
      %add3A_95 = arith.constant 1 : i32
      %add3A_96 = arith.addi %scan3A_92, %add3A_95 : i32
      %lt3A = arith.constant 32 : i32
      %lt3A_97 = arith.cmpi slt, %add3A_96, %lt3A : i32
      %convert_element_type3A = arith.extui %lt3A_97 : i1 to i32
      %cond3A = arith.constant 0 : i32
      %cond3A_98 = arith.cmpi ne, %convert_element_type3A, %cond3A : i32
      scf.if %cond3A_98 {
        %ge3A = arith.constant 1 : i32
        %ge3A_160 = arith.cmpi sge, %scan3A_92, %ge3A : i32
        %convert_element_type3A_161 = arith.extui %ge3A_160 : i1 to i32
        %cond3A_162 = arith.constant 0 : i32
        %cond3A_163 = arith.cmpi ne, %convert_element_type3A_161, %cond3A_162 : i32
        scf.if %cond3A_163 {
          %sub3A_203 = arith.constant 1 : i32
          %sub3A_204 = arith.subi %scan3A_92, %sub3A_203 : i32
          %mul3A_205 = arith.constant 8 : i32
          %mul3A_206 = arith.muli %sub3A_204, %mul3A_205 : i32
          %add3A_207 = arith.addi %mul3A_2, %mul3A_206 : i32
          %dma_wait3A_208 = arith.constant 2 : i32
          %dma_wait3A_209 = arith.constant 0 : i32
          %dma_wait3A_210 = arith.constant 0 : i32
          %dma_wait3A_211 = arith.constant 0 : i32
          %dma_wait3A_212 = tpu.memref_slice %arg6[%sub3A_94, %dma_wait3A_209, %dma_wait3A_210, %dma_wait3A_211] : memref<2x4x8x1024xf32, #tpu.memory_space<vmem>> -> memref<1x4x8x1024xf32, #tpu.memory_space<vmem>>
          %dma_wait3A_213 = tpu.memref_squeeze %dma_wait3A_212 : memref<1x4x8x1024xf32, #tpu.memory_space<vmem>> -> memref<4x8x1024xf32, #tpu.memory_space<vmem>>
          %dma_wait3A_214 = arith.constant 0 : i32
          %dma_wait3A_215 = arith.constant 0 : i32
          %dma_wait3A_216 = tpu.memref_slice %arg4[%dma_wait3A_214, %add3A_207, %dma_wait3A_215] : memref<4x8192x1024xf32, #tpu.memory_space<hbm>> -> memref<4x8x1024xf32, #tpu.memory_space<hbm>>
          %dma_wait3A_217 = tpu.memref_slice %arg7[%sub3A_94, %dma_wait3A_208] : memref<2x3x!tpu.dma_semaphore, #tpu.memory_space<semaphore_mem>> -> memref<1x1x!tpu.dma_semaphore, #tpu.memory_space<semaphore_mem>>
          %dma_wait3A_218 = tpu.memref_squeeze %dma_wait3A_217 : memref<1x1x!tpu.dma_semaphore, #tpu.memory_space<semaphore_mem>> -> memref<!tpu.dma_semaphore, #tpu.memory_space<semaphore_mem>>
          %dma_wait3A_219 = arith.constant 0 : i32
          %dma_wait3A_220 = arith.constant 0 : i32
          %dma_wait3A_221 = tpu.memref_slice %arg4[%dma_wait3A_219, %add3A_207, %dma_wait3A_220] : memref<4x8192x1024xf32, #tpu.memory_space<hbm>> -> memref<4x8x1024xf32, #tpu.memory_space<hbm>>
          %dma_wait3A_222 = arith.constant 0 : i32
          %dma_wait3A_223 = arith.constant 0 : i32
          %dma_wait3A_224 = arith.constant 0 : i32
          %dma_wait3A_225 = tpu.memref_slice %arg6[%sub3A_94, %dma_wait3A_222, %dma_wait3A_223, %dma_wait3A_224] : memref<2x4x8x1024xf32, #tpu.memory_space<vmem>> -> memref<1x4x8x1024xf32, #tpu.memory_space<vmem>>
          %dma_wait3A_226 = tpu.memref_squeeze %dma_wait3A_225 : memref<1x4x8x1024xf32, #tpu.memory_space<vmem>> -> memref<4x8x1024xf32, #tpu.memory_space<vmem>>
          tpu.wait_dma2 semaphore(%dma_wait3A_218 : memref<!tpu.dma_semaphore, #tpu.memory_space<semaphore_mem>>) src(%dma_wait3A_226 : memref<4x8x1024xf32, #tpu.memory_space<vmem>>) dst(%dma_wait3A_221 : memref<4x8x1024xf32, #tpu.memory_space<hbm>>)
        } else {
        }
        %add3A_164 = arith.constant 1 : i32
        %add3A_165 = arith.addi %scan3A_92, %add3A_164 : i32
        %mul3A_166 = arith.constant 8 : i32
        %mul3A_167 = arith.muli %add3A_165, %mul3A_166 : i32
        %add3A_168 = arith.addi %mul3A_2, %mul3A_167 : i32
        %dma_start3A_169 = arith.constant 0 : i32
        %dma_start3A_170 = arith.constant 0 : i32
        %dma_start3A_171 = arith.constant 0 : i32
        %dma_start3A_172 = tpu.memref_slice %arg5[%sub3A_94, %dma_start3A_170, %dma_start3A_171] : memref<2x8x1024xf32, #tpu.memory_space<vmem>> -> memref<1x8x1024xf32, #tpu.memory_space<vmem>>
        %dma_start3A_173 = tpu.memref_squeeze %dma_start3A_172 : memref<1x8x1024xf32, #tpu.memory_space<vmem>> -> memref<8x1024xf32, #tpu.memory_space<vmem>>
        %dma_start3A_174 = arith.constant 0 : i32
        %dma_start3A_175 = tpu.memref_slice %arg3[%add3A_168, %dma_start3A_174] : memref<8192x1024xf32, #tpu.memory_space<hbm>> -> memref<8x1024xf32, #tpu.memory_space<hbm>>
        %dma_start3A_176 = tpu.memref_slice %arg7[%sub3A_94, %dma_start3A_169] : memref<2x3x!tpu.dma_semaphore, #tpu.memory_space<semaphore_mem>> -> memref<1x1x!tpu.dma_semaphore, #tpu.memory_space<semaphore_mem>>
        %dma_start3A_177 = tpu.memref_squeeze %dma_start3A_176 : memref<1x1x!tpu.dma_semaphore, #tpu.memory_space<semaphore_mem>> -> memref<!tpu.dma_semaphore, #tpu.memory_space<semaphore_mem>>
        %dma_start3A_178 = arith.constant 0 : i32
        %dma_start3A_179 = arith.constant 0 : i32
        %dma_start3A_180 = tpu.memref_slice %arg5[%sub3A_94, %dma_start3A_178, %dma_start3A_179] : memref<2x8x1024xf32, #tpu.memory_space<vmem>> -> memref<1x8x1024xf32, #tpu.memory_space<vmem>>
        %dma_start3A_181 = tpu.memref_squeeze %dma_start3A_180 : memref<1x8x1024xf32, #tpu.memory_space<vmem>> -> memref<8x1024xf32, #tpu.memory_space<vmem>>
        %dma_start3A_182 = arith.constant 0 : i32
        %dma_start3A_183 = tpu.memref_slice %arg3[%add3A_168, %dma_start3A_182] : memref<8192x1024xf32, #tpu.memory_space<hbm>> -> memref<8x1024xf32, #tpu.memory_space<hbm>>
        tpu.enqueue_dma source(%dma_start3A_183 : memref<8x1024xf32, #tpu.memory_space<hbm>>) target(%dma_start3A_181 : memref<8x1024xf32, #tpu.memory_space<vmem>>) target_semaphore(%dma_start3A_177 : memref<!tpu.dma_semaphore, #tpu.memory_space<semaphore_mem>>)
        %dma_start3A_184 = arith.constant 1 : i32
        %dma_start3A_185 = arith.constant 0 : i32
        %dma_start3A_186 = arith.constant 0 : i32
        %dma_start3A_187 = arith.constant 0 : i32
        %dma_start3A_188 = tpu.memref_slice %arg6[%sub3A_94, %dma_start3A_185, %dma_start3A_186, %dma_start3A_187] : memref<2x4x8x1024xf32, #tpu.memory_space<vmem>> -> memref<1x4x8x1024xf32, #tpu.memory_space<vmem>>
        %dma_start3A_189 = tpu.memref_squeeze %dma_start3A_188 : memref<1x4x8x1024xf32, #tpu.memory_space<vmem>> -> memref<4x8x1024xf32, #tpu.memory_space<vmem>>
        %dma_start3A_190 = arith.constant 0 : i32
        %dma_start3A_191 = arith.constant 0 : i32
        %dma_start3A_192 = tpu.memref_slice %arg2[%dma_start3A_190, %add3A_168, %dma_start3A_191] : memref<4x8192x1024xf32, #tpu.memory_space<hbm>> -> memref<4x8x1024xf32, #tpu.memory_space<hbm>>
        %dma_start3A_193 = tpu.memref_slice %arg7[%sub3A_94, %dma_start3A_184] : memref<2x3x!tpu.dma_semaphore, #tpu.memory_space<semaphore_mem>> -> memref<1x1x!tpu.dma_semaphore, #tpu.memory_space<semaphore_mem>>
        %dma_start3A_194 = tpu.memref_squeeze %dma_start3A_193 : memref<1x1x!tpu.dma_semaphore, #tpu.memory_space<semaphore_mem>> -> memref<!tpu.dma_semaphore, #tpu.memory_space<semaphore_mem>>
        %dma_start3A_195 = arith.constant 0 : i32
        %dma_start3A_196 = arith.constant 0 : i32
        %dma_start3A_197 = arith.constant 0 : i32
        %dma_start3A_198 = tpu.memref_slice %arg6[%sub3A_94, %dma_start3A_195, %dma_start3A_196, %dma_start3A_197] : memref<2x4x8x1024xf32, #tpu.memory_space<vmem>> -> memref<1x4x8x1024xf32, #tpu.memory_space<vmem>>
        %dma_start3A_199 = tpu.memref_squeeze %dma_start3A_198 : memref<1x4x8x1024xf32, #tpu.memory_space<vmem>> -> memref<4x8x1024xf32, #tpu.memory_space<vmem>>
        %dma_start3A_200 = arith.constant 0 : i32
        %dma_start3A_201 = arith.constant 0 : i32
        %dma_start3A_202 = tpu.memref_slice %arg2[%dma_start3A_200, %add3A_168, %dma_start3A_201] : memref<4x8192x1024xf32, #tpu.memory_space<hbm>> -> memref<4x8x1024xf32, #tpu.memory_space<hbm>>
        tpu.enqueue_dma source(%dma_start3A_202 : memref<4x8x1024xf32, #tpu.memory_space<hbm>>) target(%dma_start3A_199 : memref<4x8x1024xf32, #tpu.memory_space<vmem>>) target_semaphore(%dma_start3A_194 : memref<!tpu.dma_semaphore, #tpu.memory_space<semaphore_mem>>)
      } else {
      }
      %mul3A_99 = arith.constant 8 : i32
      %mul3A_100 = arith.muli %scan3A_92, %mul3A_99 : i32
      %add3A_101 = arith.addi %mul3A_2, %mul3A_100 : i32
      %dma_wait3A_102 = arith.constant 0 : i32
      %dma_wait3A_103 = arith.constant 0 : i32
      %dma_wait3A_104 = arith.constant 0 : i32
      %dma_wait3A_105 = tpu.memref_slice %arg5[%rem3A_93, %dma_wait3A_103, %dma_wait3A_104] : memref<2x8x1024xf32, #tpu.memory_space<vmem>> -> memref<1x8x1024xf32, #tpu.memory_space<vmem>>
      %dma_wait3A_106 = tpu.memref_squeeze %dma_wait3A_105 : memref<1x8x1024xf32, #tpu.memory_space<vmem>> -> memref<8x1024xf32, #tpu.memory_space<vmem>>
      %dma_wait3A_107 = arith.constant 0 : i32
      %dma_wait3A_108 = tpu.memref_slice %arg3[%add3A_101, %dma_wait3A_107] : memref<8192x1024xf32, #tpu.memory_space<hbm>> -> memref<8x1024xf32, #tpu.memory_space<hbm>>
      %dma_wait3A_109 = tpu.memref_slice %arg7[%rem3A_93, %dma_wait3A_102] : memref<2x3x!tpu.dma_semaphore, #tpu.memory_space<semaphore_mem>> -> memref<1x1x!tpu.dma_semaphore, #tpu.memory_space<semaphore_mem>>
      %dma_wait3A_110 = tpu.memref_squeeze %dma_wait3A_109 : memref<1x1x!tpu.dma_semaphore, #tpu.memory_space<semaphore_mem>> -> memref<!tpu.dma_semaphore, #tpu.memory_space<semaphore_mem>>
      %dma_wait3A_111 = arith.constant 0 : i32
      %dma_wait3A_112 = arith.constant 0 : i32
      %dma_wait3A_113 = tpu.memref_slice %arg5[%rem3A_93, %dma_wait3A_111, %dma_wait3A_112] : memref<2x8x1024xf32, #tpu.memory_space<vmem>> -> memref<1x8x1024xf32, #tpu.memory_space<vmem>>
      %dma_wait3A_114 = tpu.memref_squeeze %dma_wait3A_113 : memref<1x8x1024xf32, #tpu.memory_space<vmem>> -> memref<8x1024xf32, #tpu.memory_space<vmem>>
      %dma_wait3A_115 = arith.constant 0 : i32
      %dma_wait3A_116 = tpu.memref_slice %arg3[%add3A_101, %dma_wait3A_115] : memref<8192x1024xf32, #tpu.memory_space<hbm>> -> memref<8x1024xf32, #tpu.memory_space<hbm>>
      tpu.wait_dma2 semaphore(%dma_wait3A_110 : memref<!tpu.dma_semaphore, #tpu.memory_space<semaphore_mem>>) src(%dma_wait3A_116 : memref<8x1024xf32, #tpu.memory_space<hbm>>) dst(%dma_wait3A_114 : memref<8x1024xf32, #tpu.memory_space<vmem>>)
      %dma_wait3A_117 = arith.constant 1 : i32
      %dma_wait3A_118 = arith.constant 0 : i32
      %dma_wait3A_119 = arith.constant 0 : i32
      %dma_wait3A_120 = arith.constant 0 : i32
      %dma_wait3A_121 = tpu.memref_slice %arg6[%rem3A_93, %dma_wait3A_118, %dma_wait3A_119, %dma_wait3A_120] : memref<2x4x8x1024xf32, #tpu.memory_space<vmem>> -> memref<1x4x8x1024xf32, #tpu.memory_space<vmem>>
      %dma_wait3A_122 = tpu.memref_squeeze %dma_wait3A_121 : memref<1x4x8x1024xf32, #tpu.memory_space<vmem>> -> memref<4x8x1024xf32, #tpu.memory_space<vmem>>
      %dma_wait3A_123 = arith.constant 0 : i32
      %dma_wait3A_124 = arith.constant 0 : i32
      %dma_wait3A_125 = tpu.memref_slice %arg2[%dma_wait3A_123, %add3A_101, %dma_wait3A_124] : memref<4x8192x1024xf32, #tpu.memory_space<hbm>> -> memref<4x8x1024xf32, #tpu.memory_space<hbm>>
      %dma_wait3A_126 = tpu.memref_slice %arg7[%rem3A_93, %dma_wait3A_117] : memref<2x3x!tpu.dma_semaphore, #tpu.memory_space<semaphore_mem>> -> memref<1x1x!tpu.dma_semaphore, #tpu.memory_space<semaphore_mem>>
      %dma_wait3A_127 = tpu.memref_squeeze %dma_wait3A_126 : memref<1x1x!tpu.dma_semaphore, #tpu.memory_space<semaphore_mem>> -> memref<!tpu.dma_semaphore, #tpu.memory_space<semaphore_mem>>
      %dma_wait3A_128 = arith.constant 0 : i32
      %dma_wait3A_129 = arith.constant 0 : i32
      %dma_wait3A_130 = arith.constant 0 : i32
      %dma_wait3A_131 = tpu.memref_slice %arg6[%rem3A_93, %dma_wait3A_128, %dma_wait3A_129, %dma_wait3A_130] : memref<2x4x8x1024xf32, #tpu.memory_space<vmem>> -> memref<1x4x8x1024xf32, #tpu.memory_space<vmem>>
      %dma_wait3A_132 = tpu.memref_squeeze %dma_wait3A_131 : memref<1x4x8x1024xf32, #tpu.memory_space<vmem>> -> memref<4x8x1024xf32, #tpu.memory_space<vmem>>
      %dma_wait3A_133 = arith.constant 0 : i32
      %dma_wait3A_134 = arith.constant 0 : i32
      %dma_wait3A_135 = tpu.memref_slice %arg2[%dma_wait3A_133, %add3A_101, %dma_wait3A_134] : memref<4x8192x1024xf32, #tpu.memory_space<hbm>> -> memref<4x8x1024xf32, #tpu.memory_space<hbm>>
      tpu.wait_dma2 semaphore(%dma_wait3A_127 : memref<!tpu.dma_semaphore, #tpu.memory_space<semaphore_mem>>) src(%dma_wait3A_135 : memref<4x8x1024xf32, #tpu.memory_space<hbm>>) dst(%dma_wait3A_132 : memref<4x8x1024xf32, #tpu.memory_space<vmem>>)
      %parallel_loop3A = arith.constant 0 : i32
      %parallel_loop3A_136 = arith.constant 1024 : i32
      %parallel_loop3A_137 = arith.constant 16 : i32
      scf.for %parallel_loop3A_160 = %parallel_loop3A to %parallel_loop3A_136 step %parallel_loop3A_137  : i32 {
        %parallel_loop3A_161 = arith.constant 0 : i32
        %parallel_loop3A_162 = arith.index_cast %rem3A_93 : i32 to index
        %parallel_loop3A_163 = arith.index_cast %parallel_loop3A_161 : i32 to index
        %parallel_loop3A_164 = arith.index_cast %parallel_loop3A_160 : i32 to index
        %parallel_loop3A_165 = tpu.vector_load %arg5[%parallel_loop3A_162, %parallel_loop3A_163, %parallel_loop3A_164] {strides = array<i32>} : memref<2x8x1024xf32, #tpu.memory_space<vmem>>, vector<1x1x16xf32>,
        %parallel_loop3A_166 = vector.shape_cast %parallel_loop3A_165 : vector<1x1x16xf32> to vector<16xf32>
        %parallel_loop3A_167 = arith.constant 0 : i32
        %parallel_loop3A_168 = arith.constant 0 : i32
        %parallel_loop3A_169 = arith.index_cast %rem3A_93 : i32 to index
        %parallel_loop3A_170 = arith.index_cast %parallel_loop3A_167 : i32 to index
        %parallel_loop3A_171 = arith.index_cast %parallel_loop3A_168 : i32 to index
        %parallel_loop3A_172 = arith.index_cast %parallel_loop3A_160 : i32 to index
        %parallel_loop3A_173 = tpu.vector_load %arg6[%parallel_loop3A_169, %parallel_loop3A_170, %parallel_loop3A_171, %parallel_loop3A_172] {strides = array<i32>} : memref<2x4x8x1024xf32, #tpu.memory_space<vmem>>, vector<1x1x1x16xf32>,
        %parallel_loop3A_174 = vector.shape_cast %parallel_loop3A_173 : vector<1x1x1x16xf32> to vector<16xf32>
        %parallel_loop3A_175 = arith.addf %parallel_loop3A_174, %parallel_loop3A_166 : vector<16xf32>
        %parallel_loop3A_176 = arith.constant 0 : i32
        %parallel_loop3A_177 = arith.constant 0 : i32
        %parallel_loop3A_178 = arith.index_cast %rem3A_93 : i32 to index
        %parallel_loop3A_179 = arith.index_cast %parallel_loop3A_176 : i32 to index
        %parallel_loop3A_180 = arith.index_cast %parallel_loop3A_177 : i32 to index
        %parallel_loop3A_181 = arith.index_cast %parallel_loop3A_160 : i32 to index
        %parallel_loop3A_182 = tpu.vector_load %arg6[%parallel_loop3A_178, %parallel_loop3A_179, %parallel_loop3A_180, %parallel_loop3A_181] {strides = array<i32>} : memref<2x4x8x1024xf32, #tpu.memory_space<vmem>>, vector<1x1x1x16xf32>,
        %parallel_loop3A_183 = vector.shape_cast %parallel_loop3A_182 : vector<1x1x1x16xf32> to vector<16xf32>
        %parallel_loop3A_184 = vector.shape_cast %parallel_loop3A_175 : vector<16xf32> to vector<1x1x1x16xf32>
        tpu.vector_store %arg6[%parallel_loop3A_178, %parallel_loop3A_179, %parallel_loop3A_180, %parallel_loop3A_181], %parallel_loop3A_184 {strides = array<i32>} : memref<2x4x8x1024xf32, #tpu.memory_space<vmem>>, vector<1x1x1x16xf32>,
        %parallel_loop3A_185 = arith.constant 1 : i32
        %parallel_loop3A_186 = arith.constant 0 : i32
        %parallel_loop3A_187 = arith.index_cast %rem3A_93 : i32 to index
        %parallel_loop3A_188 = arith.index_cast %parallel_loop3A_185 : i32 to index
        %parallel_loop3A_189 = arith.index_cast %parallel_loop3A_186 : i32 to index
        %parallel_loop3A_190 = arith.index_cast %parallel_loop3A_160 : i32 to index
        %parallel_loop3A_191 = tpu.vector_load %arg6[%parallel_loop3A_187, %parallel_loop3A_188, %parallel_loop3A_189, %parallel_loop3A_190] {strides = array<i32>} : memref<2x4x8x1024xf32, #tpu.memory_space<vmem>>, vector<1x1x1x16xf32>,
        %parallel_loop3A_192 = vector.shape_cast %parallel_loop3A_191 : vector<1x1x1x16xf32> to vector<16xf32>
        %parallel_loop3A_193 = arith.addf %parallel_loop3A_192, %parallel_loop3A_166 : vector<16xf32>
        %parallel_loop3A_194 = arith.constant 1 : i32
        %parallel_loop3A_195 = arith.constant 0 : i32
        %parallel_loop3A_196 = arith.index_cast %rem3A_93 : i32 to index
        %parallel_loop3A_197 = arith.index_cast %parallel_loop3A_194 : i32 to index
        %parallel_loop3A_198 = arith.index_cast %parallel_loop3A_195 : i32 to index
        %parallel_loop3A_199 = arith.index_cast %parallel_loop3A_160 : i32 to index
        %parallel_loop3A_200 = tpu.vector_load %arg6[%parallel_loop3A_196, %parallel_loop3A_197, %parallel_loop3A_198, %parallel_loop3A_199] {strides = array<i32>} : memref<2x4x8x1024xf32, #tpu.memory_space<vmem>>, vector<1x1x1x16xf32>,
        %parallel_loop3A_201 = vector.shape_cast %parallel_loop3A_200 : vector<1x1x1x16xf32> to vector<16xf32>
        %parallel_loop3A_202 = vector.shape_cast %parallel_loop3A_193 : vector<16xf32> to vector<1x1x1x16xf32>
        tpu.vector_store %arg6[%parallel_loop3A_196, %parallel_loop3A_197, %parallel_loop3A_198, %parallel_loop3A_199], %parallel_loop3A_202 {strides = array<i32>} : memref<2x4x8x1024xf32, #tpu.memory_space<vmem>>, vector<1x1x1x16xf32>,
        %parallel_loop3A_203 = arith.constant 2 : i32
        %parallel_loop3A_204 = arith.constant 0 : i32
        %parallel_loop3A_205 = arith.index_cast %rem3A_93 : i32 to index
        %parallel_loop3A_206 = arith.index_cast %parallel_loop3A_203 : i32 to index
        %parallel_loop3A_207 = arith.index_cast %parallel_loop3A_204 : i32 to index
        %parallel_loop3A_208 = arith.index_cast %parallel_loop3A_160 : i32 to index
        %parallel_loop3A_209 = tpu.vector_load %arg6[%parallel_loop3A_205, %parallel_loop3A_206, %parallel_loop3A_207, %parallel_loop3A_208] {strides = array<i32>} : memref<2x4x8x1024xf32, #tpu.memory_space<vmem>>, vector<1x1x1x16xf32>,
        %parallel_loop3A_210 = vector.shape_cast %parallel_loop3A_209 : vector<1x1x1x16xf32> to vector<16xf32>
        %parallel_loop3A_211 = arith.addf %parallel_loop3A_210, %parallel_loop3A_166 : vector<16xf32>
        %parallel_loop3A_212 = arith.constant 2 : i32
        %parallel_loop3A_213 = arith.constant 0 : i32
        %parallel_loop3A_214 = arith.index_cast %rem3A_93 : i32 to index
        %parallel_loop3A_215 = arith.index_cast %parallel_loop3A_212 : i32 to index
        %parallel_loop3A_216 = arith.index_cast %parallel_loop3A_213 : i32 to index
        %parallel_loop3A_217 = arith.index_cast %parallel_loop3A_160 : i32 to index
        %parallel_loop3A_218 = tpu.vector_load %arg6[%parallel_loop3A_214, %parallel_loop3A_215, %parallel_loop3A_216, %parallel_loop3A_217] {strides = array<i32>} : memref<2x4x8x1024xf32, #tpu.memory_space<vmem>>, vector<1x1x1x16xf32>,
        %parallel_loop3A_219 = vector.shape_cast %parallel_loop3A_218 : vector<1x1x1x16xf32> to vector<16xf32>
        %parallel_loop3A_220 = vector.shape_cast %parallel_loop3A_211 : vector<16xf32> to vector<1x1x1x16xf32>
        tpu.vector_store %arg6[%parallel_loop3A_214, %parallel_loop3A_215, %parallel_loop3A_216, %parallel_loop3A_217], %parallel_loop3A_220 {strides = array<i32>} : memref<2x4x8x1024xf32, #tpu.memory_space<vmem>>, vector<1x1x1x16xf32>,
        %parallel_loop3A_221 = arith.constant 3 : i32
        %parallel_loop3A_222 = arith.constant 0 : i32
        %parallel_loop3A_223 = arith.index_cast %rem3A_93 : i32 to index
        %parallel_loop3A_224 = arith.index_cast %parallel_loop3A_221 : i32 to index
        %parallel_loop3A_225 = arith.index_cast %parallel_loop3A_222 : i32 to index
        %parallel_loop3A_226 = arith.index_cast %parallel_loop3A_160 : i32 to index
        %parallel_loop3A_227 = tpu.vector_load %arg6[%parallel_loop3A_223, %parallel_loop3A_224, %parallel_loop3A_225, %parallel_loop3A_226] {strides = array<i32>} : memref<2x4x8x1024xf32, #tpu.memory_space<vmem>>, vector<1x1x1x16xf32>,
        %parallel_loop3A_228 = vector.shape_cast %parallel_loop3A_227 : vector<1x1x1x16xf32> to vector<16xf32>
        %parallel_loop3A_229 = arith.addf %parallel_loop3A_228, %parallel_loop3A_166 : vector<16xf32>
        %parallel_loop3A_230 = arith.constant 3 : i32
        %parallel_loop3A_231 = arith.constant 0 : i32
        %parallel_loop3A_232 = arith.index_cast %rem3A_93 : i32 to index
        %parallel_loop3A_233 = arith.index_cast %parallel_loop3A_230 : i32 to index
        %parallel_loop3A_234 = arith.index_cast %parallel_loop3A_231 : i32 to index
        %parallel_loop3A_235 = arith.index_cast %parallel_loop3A_160 : i32 to index
        %parallel_loop3A_236 = tpu.vector_load %arg6[%parallel_loop3A_232, %parallel_loop3A_233, %parallel_loop3A_234, %parallel_loop3A_235] {strides = array<i32>} : memref<2x4x8x1024xf32, #tpu.memory_space<vmem>>, vector<1x1x1x16xf32>,
        %parallel_loop3A_237 = vector.shape_cast %parallel_loop3A_236 : vector<1x1x1x16xf32> to vector<16xf32>
        %parallel_loop3A_238 = vector.shape_cast %parallel_loop3A_229 : vector<16xf32> to vector<1x1x1x16xf32>
        tpu.vector_store %arg6[%parallel_loop3A_232, %parallel_loop3A_233, %parallel_loop3A_234, %parallel_loop3A_235], %parallel_loop3A_238 {strides = array<i32>} : memref<2x4x8x1024xf32, #tpu.memory_space<vmem>>, vector<1x1x1x16xf32>,
        %parallel_loop3A_239 = arith.constant 1 : i32
        %parallel_loop3A_240 = arith.index_cast %rem3A_93 : i32 to index
        %parallel_loop3A_241 = arith.index_cast %parallel_loop3A_239 : i32 to index
        %parallel_loop3A_242 = arith.index_cast %parallel_loop3A_160 : i32 to index
        %parallel_loop3A_243 = tpu.vector_load %arg5[%parallel_loop3A_240, %parallel_loop3A_241, %parallel_loop3A_242] {strides = array<i32>} : memref<2x8x1024xf32, #tpu.memory_space<vmem>>, vector<1x1x16xf32>,
        %parallel_loop3A_244 = vector.shape_cast %parallel_loop3A_243 : vector<1x1x16xf32> to vector<16xf32>
        %parallel_loop3A_245 = arith.constant 0 : i32
        %parallel_loop3A_246 = arith.constant 1 : i32
        %parallel_loop3A_247 = arith.index_cast %rem3A_93 : i32 to index
        %parallel_loop3A_248 = arith.index_cast %parallel_loop3A_245 : i32 to index
        %parallel_loop3A_249 = arith.index_cast %parallel_loop3A_246 : i32 to index
        %parallel_loop3A_250 = arith.index_cast %parallel_loop3A_160 : i32 to index
        %parallel_loop3A_251 = tpu.vector_load %arg6[%parallel_loop3A_247, %parallel_loop3A_248, %parallel_loop3A_249, %parallel_loop3A_250] {strides = array<i32>} : memref<2x4x8x1024xf32, #tpu.memory_space<vmem>>, vector<1x1x1x16xf32>,
        %parallel_loop3A_252 = vector.shape_cast %parallel_loop3A_251 : vector<1x1x1x16xf32> to vector<16xf32>
        %parallel_loop3A_253 = arith.addf %parallel_loop3A_252, %parallel_loop3A_244 : vector<16xf32>
        %parallel_loop3A_254 = arith.constant 0 : i32
        %parallel_loop3A_255 = arith.constant 1 : i32
        %parallel_loop3A_256 = arith.index_cast %rem3A_93 : i32 to index
        %parallel_loop3A_257 = arith.index_cast %parallel_loop3A_254 : i32 to index
        %parallel_loop3A_258 = arith.index_cast %parallel_loop3A_255 : i32 to index
        %parallel_loop3A_259 = arith.index_cast %parallel_loop3A_160 : i32 to index
        %parallel_loop3A_260 = tpu.vector_load %arg6[%parallel_loop3A_256, %parallel_loop3A_257, %parallel_loop3A_258, %parallel_loop3A_259] {strides = array<i32>} : memref<2x4x8x1024xf32, #tpu.memory_space<vmem>>, vector<1x1x1x16xf32>,
        %parallel_loop3A_261 = vector.shape_cast %parallel_loop3A_260 : vector<1x1x1x16xf32> to vector<16xf32>
        %parallel_loop3A_262 = vector.shape_cast %parallel_loop3A_253 : vector<16xf32> to vector<1x1x1x16xf32>
        tpu.vector_store %arg6[%parallel_loop3A_256, %parallel_loop3A_257, %parallel_loop3A_258, %parallel_loop3A_259], %parallel_loop3A_262 {strides = array<i32>} : memref<2x4x8x1024xf32, #tpu.memory_space<vmem>>, vector<1x1x1x16xf32>,
        %parallel_loop3A_263 = arith.constant 1 : i32
        %parallel_loop3A_264 = arith.constant 1 : i32
        %parallel_loop3A_265 = arith.index_cast %rem3A_93 : i32 to index
        %parallel_loop3A_266 = arith.index_cast %parallel_loop3A_263 : i32 to index
        %parallel_loop3A_267 = arith.index_cast %parallel_loop3A_264 : i32 to index
        %parallel_loop3A_268 = arith.index_cast %parallel_loop3A_160 : i32 to index
        %parallel_loop3A_269 = tpu.vector_load %arg6[%parallel_loop3A_265, %parallel_loop3A_266, %parallel_loop3A_267, %parallel_loop3A_268] {strides = array<i32>} : memref<2x4x8x1024xf32, #tpu.memory_space<vmem>>, vector<1x1x1x16xf32>,
        %parallel_loop3A_270 = vector.shape_cast %parallel_loop3A_269 : vector<1x1x1x16xf32> to vector<16xf32>
        %parallel_loop3A_271 = arith.addf %parallel_loop3A_270, %parallel_loop3A_244 : vector<16xf32>
        %parallel_loop3A_272 = arith.constant 1 : i32
        %parallel_loop3A_273 = arith.constant 1 : i32
        %parallel_loop3A_274 = arith.index_cast %rem3A_93 : i32 to index
        %parallel_loop3A_275 = arith.index_cast %parallel_loop3A_272 : i32 to index
        %parallel_loop3A_276 = arith.index_cast %parallel_loop3A_273 : i32 to index
        %parallel_loop3A_277 = arith.index_cast %parallel_loop3A_160 : i32 to index
        %parallel_loop3A_278 = tpu.vector_load %arg6[%parallel_loop3A_274, %parallel_loop3A_275, %parallel_loop3A_276, %parallel_loop3A_277] {strides = array<i32>} : memref<2x4x8x1024xf32, #tpu.memory_space<vmem>>, vector<1x1x1x16xf32>,
        %parallel_loop3A_279 = vector.shape_cast %parallel_loop3A_278 : vector<1x1x1x16xf32> to vector<16xf32>
        %parallel_loop3A_280 = vector.shape_cast %parallel_loop3A_271 : vector<16xf32> to vector<1x1x1x16xf32>
        tpu.vector_store %arg6[%parallel_loop3A_274, %parallel_loop3A_275, %parallel_loop3A_276, %parallel_loop3A_277], %parallel_loop3A_280 {strides = array<i32>} : memref<2x4x8x1024xf32, #tpu.memory_space<vmem>>, vector<1x1x1x16xf32>,
        %parallel_loop3A_281 = arith.constant 2 : i32
        %parallel_loop3A_282 = arith.constant 1 : i32
        %parallel_loop3A_283 = arith.index_cast %rem3A_93 : i32 to index
        %parallel_loop3A_284 = arith.index_cast %parallel_loop3A_281 : i32 to index
        %parallel_loop3A_285 = arith.index_cast %parallel_loop3A_282 : i32 to index
        %parallel_loop3A_286 = arith.index_cast %parallel_loop3A_160 : i32 to index
        %parallel_loop3A_287 = tpu.vector_load %arg6[%parallel_loop3A_283, %parallel_loop3A_284, %parallel_loop3A_285, %parallel_loop3A_286] {strides = array<i32>} : memref<2x4x8x1024xf32, #tpu.memory_space<vmem>>, vector<1x1x1x16xf32>,
        %parallel_loop3A_288 = vector.shape_cast %parallel_loop3A_287 : vector<1x1x1x16xf32> to vector<16xf32>
        %parallel_loop3A_289 = arith.addf %parallel_loop3A_288, %parallel_loop3A_244 : vector<16xf32>
        %parallel_loop3A_290 = arith.constant 2 : i32
        %parallel_loop3A_291 = arith.constant 1 : i32
        %parallel_loop3A_292 = arith.index_cast %rem3A_93 : i32 to index
        %parallel_loop3A_293 = arith.index_cast %parallel_loop3A_290 : i32 to index
        %parallel_loop3A_294 = arith.index_cast %parallel_loop3A_291 : i32 to index
        %parallel_loop3A_295 = arith.index_cast %parallel_loop3A_160 : i32 to index
        %parallel_loop3A_296 = tpu.vector_load %arg6[%parallel_loop3A_292, %parallel_loop3A_293, %parallel_loop3A_294, %parallel_loop3A_295] {strides = array<i32>} : memref<2x4x8x1024xf32, #tpu.memory_space<vmem>>, vector<1x1x1x16xf32>,
        %parallel_loop3A_297 = vector.shape_cast %parallel_loop3A_296 : vector<1x1x1x16xf32> to vector<16xf32>
        %parallel_loop3A_298 = vector.shape_cast %parallel_loop3A_289 : vector<16xf32> to vector<1x1x1x16xf32>
        tpu.vector_store %arg6[%parallel_loop3A_292, %parallel_loop3A_293, %parallel_loop3A_294, %parallel_loop3A_295], %parallel_loop3A_298 {strides = array<i32>} : memref<2x4x8x1024xf32, #tpu.memory_space<vmem>>, vector<1x1x1x16xf32>,
        %parallel_loop3A_299 = arith.constant 3 : i32
        %parallel_loop3A_300 = arith.constant 1 : i32
        %parallel_loop3A_301 = arith.index_cast %rem3A_93 : i32 to index
        %parallel_loop3A_302 = arith.index_cast %parallel_loop3A_299 : i32 to index
        %parallel_loop3A_303 = arith.index_cast %parallel_loop3A_300 : i32 to index
        %parallel_loop3A_304 = arith.index_cast %parallel_loop3A_160 : i32 to index
        %parallel_loop3A_305 = tpu.vector_load %arg6[%parallel_loop3A_301, %parallel_loop3A_302, %parallel_loop3A_303, %parallel_loop3A_304] {strides = array<i32>} : memref<2x4x8x1024xf32, #tpu.memory_space<vmem>>, vector<1x1x1x16xf32>,
        %parallel_loop3A_306 = vector.shape_cast %parallel_loop3A_305 : vector<1x1x1x16xf32> to vector<16xf32>
        %parallel_loop3A_307 = arith.addf %parallel_loop3A_306, %parallel_loop3A_244 : vector<16xf32>
        %parallel_loop3A_308 = arith.constant 3 : i32
        %parallel_loop3A_309 = arith.constant 1 : i32
        %parallel_loop3A_310 = arith.index_cast %rem3A_93 : i32 to index
        %parallel_loop3A_311 = arith.index_cast %parallel_loop3A_308 : i32 to index
        %parallel_loop3A_312 = arith.index_cast %parallel_loop3A_309 : i32 to index
        %parallel_loop3A_313 = arith.index_cast %parallel_loop3A_160 : i32 to index
        %parallel_loop3A_314 = tpu.vector_load %arg6[%parallel_loop3A_310, %parallel_loop3A_311, %parallel_loop3A_312, %parallel_loop3A_313] {strides = array<i32>} : memref<2x4x8x1024xf32, #tpu.memory_space<vmem>>, vector<1x1x1x16xf32>,
        %parallel_loop3A_315 = vector.shape_cast %parallel_loop3A_314 : vector<1x1x1x16xf32> to vector<16xf32>
        %parallel_loop3A_316 = vector.shape_cast %parallel_loop3A_307 : vector<16xf32> to vector<1x1x1x16xf32>
        tpu.vector_store %arg6[%parallel_loop3A_310, %parallel_loop3A_311, %parallel_loop3A_312, %parallel_loop3A_313], %parallel_loop3A_316 {strides = array<i32>} : memref<2x4x8x1024xf32, #tpu.memory_space<vmem>>, vector<1x1x1x16xf32>,
        %parallel_loop3A_317 = arith.constant 2 : i32
        %parallel_loop3A_318 = arith.index_cast %rem3A_93 : i32 to index
        %parallel_loop3A_319 = arith.index_cast %parallel_loop3A_317 : i32 to index
        %parallel_loop3A_320 = arith.index_cast %parallel_loop3A_160 : i32 to index
        %parallel_loop3A_321 = tpu.vector_load %arg5[%parallel_loop3A_318, %parallel_loop3A_319, %parallel_loop3A_320] {strides = array<i32>} : memref<2x8x1024xf32, #tpu.memory_space<vmem>>, vector<1x1x16xf32>,
        %parallel_loop3A_322 = vector.shape_cast %parallel_loop3A_321 : vector<1x1x16xf32> to vector<16xf32>
        %parallel_loop3A_323 = arith.constant 0 : i32
        %parallel_loop3A_324 = arith.constant 2 : i32
        %parallel_loop3A_325 = arith.index_cast %rem3A_93 : i32 to index
        %parallel_loop3A_326 = arith.index_cast %parallel_loop3A_323 : i32 to index
        %parallel_loop3A_327 = arith.index_cast %parallel_loop3A_324 : i32 to index
        %parallel_loop3A_328 = arith.index_cast %parallel_loop3A_160 : i32 to index
        %parallel_loop3A_329 = tpu.vector_load %arg6[%parallel_loop3A_325, %parallel_loop3A_326, %parallel_loop3A_327, %parallel_loop3A_328] {strides = array<i32>} : memref<2x4x8x1024xf32, #tpu.memory_space<vmem>>, vector<1x1x1x16xf32>,
        %parallel_loop3A_330 = vector.shape_cast %parallel_loop3A_329 : vector<1x1x1x16xf32> to vector<16xf32>
        %parallel_loop3A_331 = arith.addf %parallel_loop3A_330, %parallel_loop3A_322 : vector<16xf32>
        %parallel_loop3A_332 = arith.constant 0 : i32
        %parallel_loop3A_333 = arith.constant 2 : i32
        %parallel_loop3A_334 = arith.index_cast %rem3A_93 : i32 to index
        %parallel_loop3A_335 = arith.index_cast %parallel_loop3A_332 : i32 to index
        %parallel_loop3A_336 = arith.index_cast %parallel_loop3A_333 : i32 to index
        %parallel_loop3A_337 = arith.index_cast %parallel_loop3A_160 : i32 to index
        %parallel_loop3A_338 = tpu.vector_load %arg6[%parallel_loop3A_334, %parallel_loop3A_335, %parallel_loop3A_336, %parallel_loop3A_337] {strides = array<i32>} : memref<2x4x8x1024xf32, #tpu.memory_space<vmem>>, vector<1x1x1x16xf32>,
        %parallel_loop3A_339 = vector.shape_cast %parallel_loop3A_338 : vector<1x1x1x16xf32> to vector<16xf32>
        %parallel_loop3A_340 = vector.shape_cast %parallel_loop3A_331 : vector<16xf32> to vector<1x1x1x16xf32>
        tpu.vector_store %arg6[%parallel_loop3A_334, %parallel_loop3A_335, %parallel_loop3A_336, %parallel_loop3A_337], %parallel_loop3A_340 {strides = array<i32>} : memref<2x4x8x1024xf32, #tpu.memory_space<vmem>>, vector<1x1x1x16xf32>,
        %parallel_loop3A_341 = arith.constant 1 : i32
        %parallel_loop3A_342 = arith.constant 2 : i32
        %parallel_loop3A_343 = arith.index_cast %rem3A_93 : i32 to index
        %parallel_loop3A_344 = arith.index_cast %parallel_loop3A_341 : i32 to index
        %parallel_loop3A_345 = arith.index_cast %parallel_loop3A_342 : i32 to index
        %parallel_loop3A_346 = arith.index_cast %parallel_loop3A_160 : i32 to index
        %parallel_loop3A_347 = tpu.vector_load %arg6[%parallel_loop3A_343, %parallel_loop3A_344, %parallel_loop3A_345, %parallel_loop3A_346] {strides = array<i32>} : memref<2x4x8x1024xf32, #tpu.memory_space<vmem>>, vector<1x1x1x16xf32>,
        %parallel_loop3A_348 = vector.shape_cast %parallel_loop3A_347 : vector<1x1x1x16xf32> to vector<16xf32>
        %parallel_loop3A_349 = arith.addf %parallel_loop3A_348, %parallel_loop3A_322 : vector<16xf32>
        %parallel_loop3A_350 = arith.constant 1 : i32
        %parallel_loop3A_351 = arith.constant 2 : i32
        %parallel_loop3A_352 = arith.index_cast %rem3A_93 : i32 to index
        %parallel_loop3A_353 = arith.index_cast %parallel_loop3A_350 : i32 to index
        %parallel_loop3A_354 = arith.index_cast %parallel_loop3A_351 : i32 to index
        %parallel_loop3A_355 = arith.index_cast %parallel_loop3A_160 : i32 to index
        %parallel_loop3A_356 = tpu.vector_load %arg6[%parallel_loop3A_352, %parallel_loop3A_353, %parallel_loop3A_354, %parallel_loop3A_355] {strides = array<i32>} : memref<2x4x8x1024xf32, #tpu.memory_space<vmem>>, vector<1x1x1x16xf32>,
        %parallel_loop3A_357 = vector.shape_cast %parallel_loop3A_356 : vector<1x1x1x16xf32> to vector<16xf32>
        %parallel_loop3A_358 = vector.shape_cast %parallel_loop3A_349 : vector<16xf32> to vector<1x1x1x16xf32>
        tpu.vector_store %arg6[%parallel_loop3A_352, %parallel_loop3A_353, %parallel_loop3A_354, %parallel_loop3A_355], %parallel_loop3A_358 {strides = array<i32>} : memref<2x4x8x1024xf32, #tpu.memory_space<vmem>>, vector<1x1x1x16xf32>,
        %parallel_loop3A_359 = arith.constant 2 : i32
        %parallel_loop3A_360 = arith.constant 2 : i32
        %parallel_loop3A_361 = arith.index_cast %rem3A_93 : i32 to index
        %parallel_loop3A_362 = arith.index_cast %parallel_loop3A_359 : i32 to index
        %parallel_loop3A_363 = arith.index_cast %parallel_loop3A_360 : i32 to index
        %parallel_loop3A_364 = arith.index_cast %parallel_loop3A_160 : i32 to index
        %parallel_loop3A_365 = tpu.vector_load %arg6[%parallel_loop3A_361, %parallel_loop3A_362, %parallel_loop3A_363, %parallel_loop3A_364] {strides = array<i32>} : memref<2x4x8x1024xf32, #tpu.memory_space<vmem>>, vector<1x1x1x16xf32>,
        %parallel_loop3A_366 = vector.shape_cast %parallel_loop3A_365 : vector<1x1x1x16xf32> to vector<16xf32>
        %parallel_loop3A_367 = arith.addf %parallel_loop3A_366, %parallel_loop3A_322 : vector<16xf32>
        %parallel_loop3A_368 = arith.constant 2 : i32
        %parallel_loop3A_369 = arith.constant 2 : i32
        %parallel_loop3A_370 = arith.index_cast %rem3A_93 : i32 to index
        %parallel_loop3A_371 = arith.index_cast %parallel_loop3A_368 : i32 to index
        %parallel_loop3A_372 = arith.index_cast %parallel_loop3A_369 : i32 to index
        %parallel_loop3A_373 = arith.index_cast %parallel_loop3A_160 : i32 to index
        %parallel_loop3A_374 = tpu.vector_load %arg6[%parallel_loop3A_370, %parallel_loop3A_371, %parallel_loop3A_372, %parallel_loop3A_373] {strides = array<i32>} : memref<2x4x8x1024xf32, #tpu.memory_space<vmem>>, vector<1x1x1x16xf32>,
        %parallel_loop3A_375 = vector.shape_cast %parallel_loop3A_374 : vector<1x1x1x16xf32> to vector<16xf32>
        %parallel_loop3A_376 = vector.shape_cast %parallel_loop3A_367 : vector<16xf32> to vector<1x1x1x16xf32>
        tpu.vector_store %arg6[%parallel_loop3A_370, %parallel_loop3A_371, %parallel_loop3A_372, %parallel_loop3A_373], %parallel_loop3A_376 {strides = array<i32>} : memref<2x4x8x1024xf32, #tpu.memory_space<vmem>>, vector<1x1x1x16xf32>,
        %parallel_loop3A_377 = arith.constant 3 : i32
        %parallel_loop3A_378 = arith.constant 2 : i32
        %parallel_loop3A_379 = arith.index_cast %rem3A_93 : i32 to index
        %parallel_loop3A_380 = arith.index_cast %parallel_loop3A_377 : i32 to index
        %parallel_loop3A_381 = arith.index_cast %parallel_loop3A_378 : i32 to index
        %parallel_loop3A_382 = arith.index_cast %parallel_loop3A_160 : i32 to index
        %parallel_loop3A_383 = tpu.vector_load %arg6[%parallel_loop3A_379, %parallel_loop3A_380, %parallel_loop3A_381, %parallel_loop3A_382] {strides = array<i32>} : memref<2x4x8x1024xf32, #tpu.memory_space<vmem>>, vector<1x1x1x16xf32>,
        %parallel_loop3A_384 = vector.shape_cast %parallel_loop3A_383 : vector<1x1x1x16xf32> to vector<16xf32>
        %parallel_loop3A_385 = arith.addf %parallel_loop3A_384, %parallel_loop3A_322 : vector<16xf32>
        %parallel_loop3A_386 = arith.constant 3 : i32
        %parallel_loop3A_387 = arith.constant 2 : i32
        %parallel_loop3A_388 = arith.index_cast %rem3A_93 : i32 to index
        %parallel_loop3A_389 = arith.index_cast %parallel_loop3A_386 : i32 to index
        %parallel_loop3A_390 = arith.index_cast %parallel_loop3A_387 : i32 to index
        %parallel_loop3A_391 = arith.index_cast %parallel_loop3A_160 : i32 to index
        %parallel_loop3A_392 = tpu.vector_load %arg6[%parallel_loop3A_388, %parallel_loop3A_389, %parallel_loop3A_390, %parallel_loop3A_391] {strides = array<i32>} : memref<2x4x8x1024xf32, #tpu.memory_space<vmem>>, vector<1x1x1x16xf32>,
        %parallel_loop3A_393 = vector.shape_cast %parallel_loop3A_392 : vector<1x1x1x16xf32> to vector<16xf32>
        %parallel_loop3A_394 = vector.shape_cast %parallel_loop3A_385 : vector<16xf32> to vector<1x1x1x16xf32>
        tpu.vector_store %arg6[%parallel_loop3A_388, %parallel_loop3A_389, %parallel_loop3A_390, %parallel_loop3A_391], %parallel_loop3A_394 {strides = array<i32>} : memref<2x4x8x1024xf32, #tpu.memory_space<vmem>>, vector<1x1x1x16xf32>,
        %parallel_loop3A_395 = arith.constant 3 : i32
        %parallel_loop3A_396 = arith.index_cast %rem3A_93 : i32 to index
        %parallel_loop3A_397 = arith.index_cast %parallel_loop3A_395 : i32 to index
        %parallel_loop3A_398 = arith.index_cast %parallel_loop3A_160 : i32 to index
        %parallel_loop3A_399 = tpu.vector_load %arg5[%parallel_loop3A_396, %parallel_loop3A_397, %parallel_loop3A_398] {strides = array<i32>} : memref<2x8x1024xf32, #tpu.memory_space<vmem>>, vector<1x1x16xf32>,
        %parallel_loop3A_400 = vector.shape_cast %parallel_loop3A_399 : vector<1x1x16xf32> to vector<16xf32>
        %parallel_loop3A_401 = arith.constant 0 : i32
        %parallel_loop3A_402 = arith.constant 3 : i32
        %parallel_loop3A_403 = arith.index_cast %rem3A_93 : i32 to index
        %parallel_loop3A_404 = arith.index_cast %parallel_loop3A_401 : i32 to index
        %parallel_loop3A_405 = arith.index_cast %parallel_loop3A_402 : i32 to index
        %parallel_loop3A_406 = arith.index_cast %parallel_loop3A_160 : i32 to index
        %parallel_loop3A_407 = tpu.vector_load %arg6[%parallel_loop3A_403, %parallel_loop3A_404, %parallel_loop3A_405, %parallel_loop3A_406] {strides = array<i32>} : memref<2x4x8x1024xf32, #tpu.memory_space<vmem>>, vector<1x1x1x16xf32>,
        %parallel_loop3A_408 = vector.shape_cast %parallel_loop3A_407 : vector<1x1x1x16xf32> to vector<16xf32>
        %parallel_loop3A_409 = arith.addf %parallel_loop3A_408, %parallel_loop3A_400 : vector<16xf32>
        %parallel_loop3A_410 = arith.constant 0 : i32
        %parallel_loop3A_411 = arith.constant 3 : i32
        %parallel_loop3A_412 = arith.index_cast %rem3A_93 : i32 to index
        %parallel_loop3A_413 = arith.index_cast %parallel_loop3A_410 : i32 to index
        %parallel_loop3A_414 = arith.index_cast %parallel_loop3A_411 : i32 to index
        %parallel_loop3A_415 = arith.index_cast %parallel_loop3A_160 : i32 to index
        %parallel_loop3A_416 = tpu.vector_load %arg6[%parallel_loop3A_412, %parallel_loop3A_413, %parallel_loop3A_414, %parallel_loop3A_415] {strides = array<i32>} : memref<2x4x8x1024xf32, #tpu.memory_space<vmem>>, vector<1x1x1x16xf32>,
        %parallel_loop3A_417 = vector.shape_cast %parallel_loop3A_416 : vector<1x1x1x16xf32> to vector<16xf32>
        %parallel_loop3A_418 = vector.shape_cast %parallel_loop3A_409 : vector<16xf32> to vector<1x1x1x16xf32>
        tpu.vector_store %arg6[%parallel_loop3A_412, %parallel_loop3A_413, %parallel_loop3A_414, %parallel_loop3A_415], %parallel_loop3A_418 {strides = array<i32>} : memref<2x4x8x1024xf32, #tpu.memory_space<vmem>>, vector<1x1x1x16xf32>,
        %parallel_loop3A_419 = arith.constant 1 : i32
        %parallel_loop3A_420 = arith.constant 3 : i32
        %parallel_loop3A_421 = arith.index_cast %rem3A_93 : i32 to index
        %parallel_loop3A_422 = arith.index_cast %parallel_loop3A_419 : i32 to index
        %parallel_loop3A_423 = arith.index_cast %parallel_loop3A_420 : i32 to index
        %parallel_loop3A_424 = arith.index_cast %parallel_loop3A_160 : i32 to index
        %parallel_loop3A_425 = tpu.vector_load %arg6[%parallel_loop3A_421, %parallel_loop3A_422, %parallel_loop3A_423, %parallel_loop3A_424] {strides = array<i32>} : memref<2x4x8x1024xf32, #tpu.memory_space<vmem>>, vector<1x1x1x16xf32>,
        %parallel_loop3A_426 = vector.shape_cast %parallel_loop3A_425 : vector<1x1x1x16xf32> to vector<16xf32>
        %parallel_loop3A_427 = arith.addf %parallel_loop3A_426, %parallel_loop3A_400 : vector<16xf32>
        %parallel_loop3A_428 = arith.constant 1 : i32
        %parallel_loop3A_429 = arith.constant 3 : i32
        %parallel_loop3A_430 = arith.index_cast %rem3A_93 : i32 to index
        %parallel_loop3A_431 = arith.index_cast %parallel_loop3A_428 : i32 to index
        %parallel_loop3A_432 = arith.index_cast %parallel_loop3A_429 : i32 to index
        %parallel_loop3A_433 = arith.index_cast %parallel_loop3A_160 : i32 to index
        %parallel_loop3A_434 = tpu.vector_load %arg6[%parallel_loop3A_430, %parallel_loop3A_431, %parallel_loop3A_432, %parallel_loop3A_433] {strides = array<i32>} : memref<2x4x8x1024xf32, #tpu.memory_space<vmem>>, vector<1x1x1x16xf32>,
        %parallel_loop3A_435 = vector.shape_cast %parallel_loop3A_434 : vector<1x1x1x16xf32> to vector<16xf32>
        %parallel_loop3A_436 = vector.shape_cast %parallel_loop3A_427 : vector<16xf32> to vector<1x1x1x16xf32>
        tpu.vector_store %arg6[%parallel_loop3A_430, %parallel_loop3A_431, %parallel_loop3A_432, %parallel_loop3A_433], %parallel_loop3A_436 {strides = array<i32>} : memref<2x4x8x1024xf32, #tpu.memory_space<vmem>>, vector<1x1x1x16xf32>,
        %parallel_loop3A_437 = arith.constant 2 : i32
        %parallel_loop3A_438 = arith.constant 3 : i32
        %parallel_loop3A_439 = arith.index_cast %rem3A_93 : i32 to index
        %parallel_loop3A_440 = arith.index_cast %parallel_loop3A_437 : i32 to index
        %parallel_loop3A_441 = arith.index_cast %parallel_loop3A_438 : i32 to index
        %parallel_loop3A_442 = arith.index_cast %parallel_loop3A_160 : i32 to index
        %parallel_loop3A_443 = tpu.vector_load %arg6[%parallel_loop3A_439, %parallel_loop3A_440, %parallel_loop3A_441, %parallel_loop3A_442] {strides = array<i32>} : memref<2x4x8x1024xf32, #tpu.memory_space<vmem>>, vector<1x1x1x16xf32>,
        %parallel_loop3A_444 = vector.shape_cast %parallel_loop3A_443 : vector<1x1x1x16xf32> to vector<16xf32>
        %parallel_loop3A_445 = arith.addf %parallel_loop3A_444, %parallel_loop3A_400 : vector<16xf32>
        %parallel_loop3A_446 = arith.constant 2 : i32
        %parallel_loop3A_447 = arith.constant 3 : i32
        %parallel_loop3A_448 = arith.index_cast %rem3A_93 : i32 to index
        %parallel_loop3A_449 = arith.index_cast %parallel_loop3A_446 : i32 to index
        %parallel_loop3A_450 = arith.index_cast %parallel_loop3A_447 : i32 to index
        %parallel_loop3A_451 = arith.index_cast %parallel_loop3A_160 : i32 to index
        %parallel_loop3A_452 = tpu.vector_load %arg6[%parallel_loop3A_448, %parallel_loop3A_449, %parallel_loop3A_450, %parallel_loop3A_451] {strides = array<i32>} : memref<2x4x8x1024xf32, #tpu.memory_space<vmem>>, vector<1x1x1x16xf32>,
        %parallel_loop3A_453 = vector.shape_cast %parallel_loop3A_452 : vector<1x1x1x16xf32> to vector<16xf32>
        %parallel_loop3A_454 = vector.shape_cast %parallel_loop3A_445 : vector<16xf32> to vector<1x1x1x16xf32>
        tpu.vector_store %arg6[%parallel_loop3A_448, %parallel_loop3A_449, %parallel_loop3A_450, %parallel_loop3A_451], %parallel_loop3A_454 {strides = array<i32>} : memref<2x4x8x1024xf32, #tpu.memory_space<vmem>>, vector<1x1x1x16xf32>,
        %parallel_loop3A_455 = arith.constant 3 : i32
        %parallel_loop3A_456 = arith.constant 3 : i32
        %parallel_loop3A_457 = arith.index_cast %rem3A_93 : i32 to index
        %parallel_loop3A_458 = arith.index_cast %parallel_loop3A_455 : i32 to index
        %parallel_loop3A_459 = arith.index_cast %parallel_loop3A_456 : i32 to index
        %parallel_loop3A_460 = arith.index_cast %parallel_loop3A_160 : i32 to index
        %parallel_loop3A_461 = tpu.vector_load %arg6[%parallel_loop3A_457, %parallel_loop3A_458, %parallel_loop3A_459, %parallel_loop3A_460] {strides = array<i32>} : memref<2x4x8x1024xf32, #tpu.memory_space<vmem>>, vector<1x1x1x16xf32>,
        %parallel_loop3A_462 = vector.shape_cast %parallel_loop3A_461 : vector<1x1x1x16xf32> to vector<16xf32>
        %parallel_loop3A_463 = arith.addf %parallel_loop3A_462, %parallel_loop3A_400 : vector<16xf32>
        %parallel_loop3A_464 = arith.constant 3 : i32
        %parallel_loop3A_465 = arith.constant 3 : i32
        %parallel_loop3A_466 = arith.index_cast %rem3A_93 : i32 to index
        %parallel_loop3A_467 = arith.index_cast %parallel_loop3A_464 : i32 to index
        %parallel_loop3A_468 = arith.index_cast %parallel_loop3A_465 : i32 to index
        %parallel_loop3A_469 = arith.index_cast %parallel_loop3A_160 : i32 to index
        %parallel_loop3A_470 = tpu.vector_load %arg6[%parallel_loop3A_466, %parallel_loop3A_467, %parallel_loop3A_468, %parallel_loop3A_469] {strides = array<i32>} : memref<2x4x8x1024xf32, #tpu.memory_space<vmem>>, vector<1x1x1x16xf32>,
        %parallel_loop3A_471 = vector.shape_cast %parallel_loop3A_470 : vector<1x1x1x16xf32> to vector<16xf32>
        %parallel_loop3A_472 = vector.shape_cast %parallel_loop3A_463 : vector<16xf32> to vector<1x1x1x16xf32>
        tpu.vector_store %arg6[%parallel_loop3A_466, %parallel_loop3A_467, %parallel_loop3A_468, %parallel_loop3A_469], %parallel_loop3A_472 {strides = array<i32>} : memref<2x4x8x1024xf32, #tpu.memory_space<vmem>>, vector<1x1x1x16xf32>,
        %parallel_loop3A_473 = arith.constant 4 : i32
        %parallel_loop3A_474 = arith.index_cast %rem3A_93 : i32 to index
        %parallel_loop3A_475 = arith.index_cast %parallel_loop3A_473 : i32 to index
        %parallel_loop3A_476 = arith.index_cast %parallel_loop3A_160 : i32 to index
        %parallel_loop3A_477 = tpu.vector_load %arg5[%parallel_loop3A_474, %parallel_loop3A_475, %parallel_loop3A_476] {strides = array<i32>} : memref<2x8x1024xf32, #tpu.memory_space<vmem>>, vector<1x1x16xf32>,
        %parallel_loop3A_478 = vector.shape_cast %parallel_loop3A_477 : vector<1x1x16xf32> to vector<16xf32>
        %parallel_loop3A_479 = arith.constant 0 : i32
        %parallel_loop3A_480 = arith.constant 4 : i32
        %parallel_loop3A_481 = arith.index_cast %rem3A_93 : i32 to index
        %parallel_loop3A_482 = arith.index_cast %parallel_loop3A_479 : i32 to index
        %parallel_loop3A_483 = arith.index_cast %parallel_loop3A_480 : i32 to index
        %parallel_loop3A_484 = arith.index_cast %parallel_loop3A_160 : i32 to index
        %parallel_loop3A_485 = tpu.vector_load %arg6[%parallel_loop3A_481, %parallel_loop3A_482, %parallel_loop3A_483, %parallel_loop3A_484] {strides = array<i32>} : memref<2x4x8x1024xf32, #tpu.memory_space<vmem>>, vector<1x1x1x16xf32>,
        %parallel_loop3A_486 = vector.shape_cast %parallel_loop3A_485 : vector<1x1x1x16xf32> to vector<16xf32>
        %parallel_loop3A_487 = arith.addf %parallel_loop3A_486, %parallel_loop3A_478 : vector<16xf32>
        %parallel_loop3A_488 = arith.constant 0 : i32
        %parallel_loop3A_489 = arith.constant 4 : i32
        %parallel_loop3A_490 = arith.index_cast %rem3A_93 : i32 to index
        %parallel_loop3A_491 = arith.index_cast %parallel_loop3A_488 : i32 to index
        %parallel_loop3A_492 = arith.index_cast %parallel_loop3A_489 : i32 to index
        %parallel_loop3A_493 = arith.index_cast %parallel_loop3A_160 : i32 to index
        %parallel_loop3A_494 = tpu.vector_load %arg6[%parallel_loop3A_490, %parallel_loop3A_491, %parallel_loop3A_492, %parallel_loop3A_493] {strides = array<i32>} : memref<2x4x8x1024xf32, #tpu.memory_space<vmem>>, vector<1x1x1x16xf32>,
        %parallel_loop3A_495 = vector.shape_cast %parallel_loop3A_494 : vector<1x1x1x16xf32> to vector<16xf32>
        %parallel_loop3A_496 = vector.shape_cast %parallel_loop3A_487 : vector<16xf32> to vector<1x1x1x16xf32>
        tpu.vector_store %arg6[%parallel_loop3A_490, %parallel_loop3A_491, %parallel_loop3A_492, %parallel_loop3A_493], %parallel_loop3A_496 {strides = array<i32>} : memref<2x4x8x1024xf32, #tpu.memory_space<vmem>>, vector<1x1x1x16xf32>,
        %parallel_loop3A_497 = arith.constant 1 : i32
        %parallel_loop3A_498 = arith.constant 4 : i32
        %parallel_loop3A_499 = arith.index_cast %rem3A_93 : i32 to index
        %parallel_loop3A_500 = arith.index_cast %parallel_loop3A_497 : i32 to index
        %parallel_loop3A_501 = arith.index_cast %parallel_loop3A_498 : i32 to index
        %parallel_loop3A_502 = arith.index_cast %parallel_loop3A_160 : i32 to index
        %parallel_loop3A_503 = tpu.vector_load %arg6[%parallel_loop3A_499, %parallel_loop3A_500, %parallel_loop3A_501, %parallel_loop3A_502] {strides = array<i32>} : memref<2x4x8x1024xf32, #tpu.memory_space<vmem>>, vector<1x1x1x16xf32>,
        %parallel_loop3A_504 = vector.shape_cast %parallel_loop3A_503 : vector<1x1x1x16xf32> to vector<16xf32>
        %parallel_loop3A_505 = arith.addf %parallel_loop3A_504, %parallel_loop3A_478 : vector<16xf32>
        %parallel_loop3A_506 = arith.constant 1 : i32
        %parallel_loop3A_507 = arith.constant 4 : i32
        %parallel_loop3A_508 = arith.index_cast %rem3A_93 : i32 to index
        %parallel_loop3A_509 = arith.index_cast %parallel_loop3A_506 : i32 to index
        %parallel_loop3A_510 = arith.index_cast %parallel_loop3A_507 : i32 to index
        %parallel_loop3A_511 = arith.index_cast %parallel_loop3A_160 : i32 to index
        %parallel_loop3A_512 = tpu.vector_load %arg6[%parallel_loop3A_508, %parallel_loop3A_509, %parallel_loop3A_510, %parallel_loop3A_511] {strides = array<i32>} : memref<2x4x8x1024xf32, #tpu.memory_space<vmem>>, vector<1x1x1x16xf32>,
        %parallel_loop3A_513 = vector.shape_cast %parallel_loop3A_512 : vector<1x1x1x16xf32> to vector<16xf32>
        %parallel_loop3A_514 = vector.shape_cast %parallel_loop3A_505 : vector<16xf32> to vector<1x1x1x16xf32>
        tpu.vector_store %arg6[%parallel_loop3A_508, %parallel_loop3A_509, %parallel_loop3A_510, %parallel_loop3A_511], %parallel_loop3A_514 {strides = array<i32>} : memref<2x4x8x1024xf32, #tpu.memory_space<vmem>>, vector<1x1x1x16xf32>,
        %parallel_loop3A_515 = arith.constant 2 : i32
        %parallel_loop3A_516 = arith.constant 4 : i32
        %parallel_loop3A_517 = arith.index_cast %rem3A_93 : i32 to index
        %parallel_loop3A_518 = arith.index_cast %parallel_loop3A_515 : i32 to index
        %parallel_loop3A_519 = arith.index_cast %parallel_loop3A_516 : i32 to index
        %parallel_loop3A_520 = arith.index_cast %parallel_loop3A_160 : i32 to index
        %parallel_loop3A_521 = tpu.vector_load %arg6[%parallel_loop3A_517, %parallel_loop3A_518, %parallel_loop3A_519, %parallel_loop3A_520] {strides = array<i32>} : memref<2x4x8x1024xf32, #tpu.memory_space<vmem>>, vector<1x1x1x16xf32>,
        %parallel_loop3A_522 = vector.shape_cast %parallel_loop3A_521 : vector<1x1x1x16xf32> to vector<16xf32>
        %parallel_loop3A_523 = arith.addf %parallel_loop3A_522, %parallel_loop3A_478 : vector<16xf32>
        %parallel_loop3A_524 = arith.constant 2 : i32
        %parallel_loop3A_525 = arith.constant 4 : i32
        %parallel_loop3A_526 = arith.index_cast %rem3A_93 : i32 to index
        %parallel_loop3A_527 = arith.index_cast %parallel_loop3A_524 : i32 to index
        %parallel_loop3A_528 = arith.index_cast %parallel_loop3A_525 : i32 to index
        %parallel_loop3A_529 = arith.index_cast %parallel_loop3A_160 : i32 to index
        %parallel_loop3A_530 = tpu.vector_load %arg6[%parallel_loop3A_526, %parallel_loop3A_527, %parallel_loop3A_528, %parallel_loop3A_529] {strides = array<i32>} : memref<2x4x8x1024xf32, #tpu.memory_space<vmem>>, vector<1x1x1x16xf32>,
        %parallel_loop3A_531 = vector.shape_cast %parallel_loop3A_530 : vector<1x1x1x16xf32> to vector<16xf32>
        %parallel_loop3A_532 = vector.shape_cast %parallel_loop3A_523 : vector<16xf32> to vector<1x1x1x16xf32>
        tpu.vector_store %arg6[%parallel_loop3A_526, %parallel_loop3A_527, %parallel_loop3A_528, %parallel_loop3A_529], %parallel_loop3A_532 {strides = array<i32>} : memref<2x4x8x1024xf32, #tpu.memory_space<vmem>>, vector<1x1x1x16xf32>,
        %parallel_loop3A_533 = arith.constant 3 : i32
        %parallel_loop3A_534 = arith.constant 4 : i32
        %parallel_loop3A_535 = arith.index_cast %rem3A_93 : i32 to index
        %parallel_loop3A_536 = arith.index_cast %parallel_loop3A_533 : i32 to index
        %parallel_loop3A_537 = arith.index_cast %parallel_loop3A_534 : i32 to index
        %parallel_loop3A_538 = arith.index_cast %parallel_loop3A_160 : i32 to index
        %parallel_loop3A_539 = tpu.vector_load %arg6[%parallel_loop3A_535, %parallel_loop3A_536, %parallel_loop3A_537, %parallel_loop3A_538] {strides = array<i32>} : memref<2x4x8x1024xf32, #tpu.memory_space<vmem>>, vector<1x1x1x16xf32>,
        %parallel_loop3A_540 = vector.shape_cast %parallel_loop3A_539 : vector<1x1x1x16xf32> to vector<16xf32>
        %parallel_loop3A_541 = arith.addf %parallel_loop3A_540, %parallel_loop3A_478 : vector<16xf32>
        %parallel_loop3A_542 = arith.constant 3 : i32
        %parallel_loop3A_543 = arith.constant 4 : i32
        %parallel_loop3A_544 = arith.index_cast %rem3A_93 : i32 to index
        %parallel_loop3A_545 = arith.index_cast %parallel_loop3A_542 : i32 to index
        %parallel_loop3A_546 = arith.index_cast %parallel_loop3A_543 : i32 to index
        %parallel_loop3A_547 = arith.index_cast %parallel_loop3A_160 : i32 to index
        %parallel_loop3A_548 = tpu.vector_load %arg6[%parallel_loop3A_544, %parallel_loop3A_545, %parallel_loop3A_546, %parallel_loop3A_547] {strides = array<i32>} : memref<2x4x8x1024xf32, #tpu.memory_space<vmem>>, vector<1x1x1x16xf32>,
        %parallel_loop3A_549 = vector.shape_cast %parallel_loop3A_548 : vector<1x1x1x16xf32> to vector<16xf32>
        %parallel_loop3A_550 = vector.shape_cast %parallel_loop3A_541 : vector<16xf32> to vector<1x1x1x16xf32>
        tpu.vector_store %arg6[%parallel_loop3A_544, %parallel_loop3A_545, %parallel_loop3A_546, %parallel_loop3A_547], %parallel_loop3A_550 {strides = array<i32>} : memref<2x4x8x1024xf32, #tpu.memory_space<vmem>>, vector<1x1x1x16xf32>,
        %parallel_loop3A_551 = arith.constant 5 : i32
        %parallel_loop3A_552 = arith.index_cast %rem3A_93 : i32 to index
        %parallel_loop3A_553 = arith.index_cast %parallel_loop3A_551 : i32 to index
        %parallel_loop3A_554 = arith.index_cast %parallel_loop3A_160 : i32 to index
        %parallel_loop3A_555 = tpu.vector_load %arg5[%parallel_loop3A_552, %parallel_loop3A_553, %parallel_loop3A_554] {strides = array<i32>} : memref<2x8x1024xf32, #tpu.memory_space<vmem>>, vector<1x1x16xf32>,
        %parallel_loop3A_556 = vector.shape_cast %parallel_loop3A_555 : vector<1x1x16xf32> to vector<16xf32>
        %parallel_loop3A_557 = arith.constant 0 : i32
        %parallel_loop3A_558 = arith.constant 5 : i32
        %parallel_loop3A_559 = arith.index_cast %rem3A_93 : i32 to index
        %parallel_loop3A_560 = arith.index_cast %parallel_loop3A_557 : i32 to index
        %parallel_loop3A_561 = arith.index_cast %parallel_loop3A_558 : i32 to index
        %parallel_loop3A_562 = arith.index_cast %parallel_loop3A_160 : i32 to index
        %parallel_loop3A_563 = tpu.vector_load %arg6[%parallel_loop3A_559, %parallel_loop3A_560, %parallel_loop3A_561, %parallel_loop3A_562] {strides = array<i32>} : memref<2x4x8x1024xf32, #tpu.memory_space<vmem>>, vector<1x1x1x16xf32>,
        %parallel_loop3A_564 = vector.shape_cast %parallel_loop3A_563 : vector<1x1x1x16xf32> to vector<16xf32>
        %parallel_loop3A_565 = arith.addf %parallel_loop3A_564, %parallel_loop3A_556 : vector<16xf32>
        %parallel_loop3A_566 = arith.constant 0 : i32
        %parallel_loop3A_567 = arith.constant 5 : i32
        %parallel_loop3A_568 = arith.index_cast %rem3A_93 : i32 to index
        %parallel_loop3A_569 = arith.index_cast %parallel_loop3A_566 : i32 to index
        %parallel_loop3A_570 = arith.index_cast %parallel_loop3A_567 : i32 to index
        %parallel_loop3A_571 = arith.index_cast %parallel_loop3A_160 : i32 to index
        %parallel_loop3A_572 = tpu.vector_load %arg6[%parallel_loop3A_568, %parallel_loop3A_569, %parallel_loop3A_570, %parallel_loop3A_571] {strides = array<i32>} : memref<2x4x8x1024xf32, #tpu.memory_space<vmem>>, vector<1x1x1x16xf32>,
        %parallel_loop3A_573 = vector.shape_cast %parallel_loop3A_572 : vector<1x1x1x16xf32> to vector<16xf32>
        %parallel_loop3A_574 = vector.shape_cast %parallel_loop3A_565 : vector<16xf32> to vector<1x1x1x16xf32>
        tpu.vector_store %arg6[%parallel_loop3A_568, %parallel_loop3A_569, %parallel_loop3A_570, %parallel_loop3A_571], %parallel_loop3A_574 {strides = array<i32>} : memref<2x4x8x1024xf32, #tpu.memory_space<vmem>>, vector<1x1x1x16xf32>,
        %parallel_loop3A_575 = arith.constant 1 : i32
        %parallel_loop3A_576 = arith.constant 5 : i32
        %parallel_loop3A_577 = arith.index_cast %rem3A_93 : i32 to index
        %parallel_loop3A_578 = arith.index_cast %parallel_loop3A_575 : i32 to index
        %parallel_loop3A_579 = arith.index_cast %parallel_loop3A_576 : i32 to index
        %parallel_loop3A_580 = arith.index_cast %parallel_loop3A_160 : i32 to index
        %parallel_loop3A_581 = tpu.vector_load %arg6[%parallel_loop3A_577, %parallel_loop3A_578, %parallel_loop3A_579, %parallel_loop3A_580] {strides = array<i32>} : memref<2x4x8x1024xf32, #tpu.memory_space<vmem>>, vector<1x1x1x16xf32>,
        %parallel_loop3A_582 = vector.shape_cast %parallel_loop3A_581 : vector<1x1x1x16xf32> to vector<16xf32>
        %parallel_loop3A_583 = arith.addf %parallel_loop3A_582, %parallel_loop3A_556 : vector<16xf32>
        %parallel_loop3A_584 = arith.constant 1 : i32
        %parallel_loop3A_585 = arith.constant 5 : i32
        %parallel_loop3A_586 = arith.index_cast %rem3A_93 : i32 to index
        %parallel_loop3A_587 = arith.index_cast %parallel_loop3A_584 : i32 to index
        %parallel_loop3A_588 = arith.index_cast %parallel_loop3A_585 : i32 to index
        %parallel_loop3A_589 = arith.index_cast %parallel_loop3A_160 : i32 to index
        %parallel_loop3A_590 = tpu.vector_load %arg6[%parallel_loop3A_586, %parallel_loop3A_587, %parallel_loop3A_588, %parallel_loop3A_589] {strides = array<i32>} : memref<2x4x8x1024xf32, #tpu.memory_space<vmem>>, vector<1x1x1x16xf32>,
        %parallel_loop3A_591 = vector.shape_cast %parallel_loop3A_590 : vector<1x1x1x16xf32> to vector<16xf32>
        %parallel_loop3A_592 = vector.shape_cast %parallel_loop3A_583 : vector<16xf32> to vector<1x1x1x16xf32>
        tpu.vector_store %arg6[%parallel_loop3A_586, %parallel_loop3A_587, %parallel_loop3A_588, %parallel_loop3A_589], %parallel_loop3A_592 {strides = array<i32>} : memref<2x4x8x1024xf32, #tpu.memory_space<vmem>>, vector<1x1x1x16xf32>,
        %parallel_loop3A_593 = arith.constant 2 : i32
        %parallel_loop3A_594 = arith.constant 5 : i32
        %parallel_loop3A_595 = arith.index_cast %rem3A_93 : i32 to index
        %parallel_loop3A_596 = arith.index_cast %parallel_loop3A_593 : i32 to index
        %parallel_loop3A_597 = arith.index_cast %parallel_loop3A_594 : i32 to index
        %parallel_loop3A_598 = arith.index_cast %parallel_loop3A_160 : i32 to index
        %parallel_loop3A_599 = tpu.vector_load %arg6[%parallel_loop3A_595, %parallel_loop3A_596, %parallel_loop3A_597, %parallel_loop3A_598] {strides = array<i32>} : memref<2x4x8x1024xf32, #tpu.memory_space<vmem>>, vector<1x1x1x16xf32>,
        %parallel_loop3A_600 = vector.shape_cast %parallel_loop3A_599 : vector<1x1x1x16xf32> to vector<16xf32>
        %parallel_loop3A_601 = arith.addf %parallel_loop3A_600, %parallel_loop3A_556 : vector<16xf32>
        %parallel_loop3A_602 = arith.constant 2 : i32
        %parallel_loop3A_603 = arith.constant 5 : i32
        %parallel_loop3A_604 = arith.index_cast %rem3A_93 : i32 to index
        %parallel_loop3A_605 = arith.index_cast %parallel_loop3A_602 : i32 to index
        %parallel_loop3A_606 = arith.index_cast %parallel_loop3A_603 : i32 to index
        %parallel_loop3A_607 = arith.index_cast %parallel_loop3A_160 : i32 to index
        %parallel_loop3A_608 = tpu.vector_load %arg6[%parallel_loop3A_604, %parallel_loop3A_605, %parallel_loop3A_606, %parallel_loop3A_607] {strides = array<i32>} : memref<2x4x8x1024xf32, #tpu.memory_space<vmem>>, vector<1x1x1x16xf32>,
        %parallel_loop3A_609 = vector.shape_cast %parallel_loop3A_608 : vector<1x1x1x16xf32> to vector<16xf32>
        %parallel_loop3A_610 = vector.shape_cast %parallel_loop3A_601 : vector<16xf32> to vector<1x1x1x16xf32>
        tpu.vector_store %arg6[%parallel_loop3A_604, %parallel_loop3A_605, %parallel_loop3A_606, %parallel_loop3A_607], %parallel_loop3A_610 {strides = array<i32>} : memref<2x4x8x1024xf32, #tpu.memory_space<vmem>>, vector<1x1x1x16xf32>,
        %parallel_loop3A_611 = arith.constant 3 : i32
        %parallel_loop3A_612 = arith.constant 5 : i32
        %parallel_loop3A_613 = arith.index_cast %rem3A_93 : i32 to index
        %parallel_loop3A_614 = arith.index_cast %parallel_loop3A_611 : i32 to index
        %parallel_loop3A_615 = arith.index_cast %parallel_loop3A_612 : i32 to index
        %parallel_loop3A_616 = arith.index_cast %parallel_loop3A_160 : i32 to index
        %parallel_loop3A_617 = tpu.vector_load %arg6[%parallel_loop3A_613, %parallel_loop3A_614, %parallel_loop3A_615, %parallel_loop3A_616] {strides = array<i32>} : memref<2x4x8x1024xf32, #tpu.memory_space<vmem>>, vector<1x1x1x16xf32>,
        %parallel_loop3A_618 = vector.shape_cast %parallel_loop3A_617 : vector<1x1x1x16xf32> to vector<16xf32>
        %parallel_loop3A_619 = arith.addf %parallel_loop3A_618, %parallel_loop3A_556 : vector<16xf32>
        %parallel_loop3A_620 = arith.constant 3 : i32
        %parallel_loop3A_621 = arith.constant 5 : i32
        %parallel_loop3A_622 = arith.index_cast %rem3A_93 : i32 to index
        %parallel_loop3A_623 = arith.index_cast %parallel_loop3A_620 : i32 to index
        %parallel_loop3A_624 = arith.index_cast %parallel_loop3A_621 : i32 to index
        %parallel_loop3A_625 = arith.index_cast %parallel_loop3A_160 : i32 to index
        %parallel_loop3A_626 = tpu.vector_load %arg6[%parallel_loop3A_622, %parallel_loop3A_623, %parallel_loop3A_624, %parallel_loop3A_625] {strides = array<i32>} : memref<2x4x8x1024xf32, #tpu.memory_space<vmem>>, vector<1x1x1x16xf32>,
        %parallel_loop3A_627 = vector.shape_cast %parallel_loop3A_626 : vector<1x1x1x16xf32> to vector<16xf32>
        %parallel_loop3A_628 = vector.shape_cast %parallel_loop3A_619 : vector<16xf32> to vector<1x1x1x16xf32>
        tpu.vector_store %arg6[%parallel_loop3A_622, %parallel_loop3A_623, %parallel_loop3A_624, %parallel_loop3A_625], %parallel_loop3A_628 {strides = array<i32>} : memref<2x4x8x1024xf32, #tpu.memory_space<vmem>>, vector<1x1x1x16xf32>,
        %parallel_loop3A_629 = arith.constant 6 : i32
        %parallel_loop3A_630 = arith.index_cast %rem3A_93 : i32 to index
        %parallel_loop3A_631 = arith.index_cast %parallel_loop3A_629 : i32 to index
        %parallel_loop3A_632 = arith.index_cast %parallel_loop3A_160 : i32 to index
        %parallel_loop3A_633 = tpu.vector_load %arg5[%parallel_loop3A_630, %parallel_loop3A_631, %parallel_loop3A_632] {strides = array<i32>} : memref<2x8x1024xf32, #tpu.memory_space<vmem>>, vector<1x1x16xf32>,
        %parallel_loop3A_634 = vector.shape_cast %parallel_loop3A_633 : vector<1x1x16xf32> to vector<16xf32>
        %parallel_loop3A_635 = arith.constant 0 : i32
        %parallel_loop3A_636 = arith.constant 6 : i32
        %parallel_loop3A_637 = arith.index_cast %rem3A_93 : i32 to index
        %parallel_loop3A_638 = arith.index_cast %parallel_loop3A_635 : i32 to index
        %parallel_loop3A_639 = arith.index_cast %parallel_loop3A_636 : i32 to index
        %parallel_loop3A_640 = arith.index_cast %parallel_loop3A_160 : i32 to index
        %parallel_loop3A_641 = tpu.vector_load %arg6[%parallel_loop3A_637, %parallel_loop3A_638, %parallel_loop3A_639, %parallel_loop3A_640] {strides = array<i32>} : memref<2x4x8x1024xf32, #tpu.memory_space<vmem>>, vector<1x1x1x16xf32>,
        %parallel_loop3A_642 = vector.shape_cast %parallel_loop3A_641 : vector<1x1x1x16xf32> to vector<16xf32>
        %parallel_loop3A_643 = arith.addf %parallel_loop3A_642, %parallel_loop3A_634 : vector<16xf32>
        %parallel_loop3A_644 = arith.constant 0 : i32
        %parallel_loop3A_645 = arith.constant 6 : i32
        %parallel_loop3A_646 = arith.index_cast %rem3A_93 : i32 to index
        %parallel_loop3A_647 = arith.index_cast %parallel_loop3A_644 : i32 to index
        %parallel_loop3A_648 = arith.index_cast %parallel_loop3A_645 : i32 to index
        %parallel_loop3A_649 = arith.index_cast %parallel_loop3A_160 : i32 to index
        %parallel_loop3A_650 = tpu.vector_load %arg6[%parallel_loop3A_646, %parallel_loop3A_647, %parallel_loop3A_648, %parallel_loop3A_649] {strides = array<i32>} : memref<2x4x8x1024xf32, #tpu.memory_space<vmem>>, vector<1x1x1x16xf32>,
        %parallel_loop3A_651 = vector.shape_cast %parallel_loop3A_650 : vector<1x1x1x16xf32> to vector<16xf32>
        %parallel_loop3A_652 = vector.shape_cast %parallel_loop3A_643 : vector<16xf32> to vector<1x1x1x16xf32>
        tpu.vector_store %arg6[%parallel_loop3A_646, %parallel_loop3A_647, %parallel_loop3A_648, %parallel_loop3A_649], %parallel_loop3A_652 {strides = array<i32>} : memref<2x4x8x1024xf32, #tpu.memory_space<vmem>>, vector<1x1x1x16xf32>,
        %parallel_loop3A_653 = arith.constant 1 : i32
        %parallel_loop3A_654 = arith.constant 6 : i32
        %parallel_loop3A_655 = arith.index_cast %rem3A_93 : i32 to index
        %parallel_loop3A_656 = arith.index_cast %parallel_loop3A_653 : i32 to index
        %parallel_loop3A_657 = arith.index_cast %parallel_loop3A_654 : i32 to index
        %parallel_loop3A_658 = arith.index_cast %parallel_loop3A_160 : i32 to index
        %parallel_loop3A_659 = tpu.vector_load %arg6[%parallel_loop3A_655, %parallel_loop3A_656, %parallel_loop3A_657, %parallel_loop3A_658] {strides = array<i32>} : memref<2x4x8x1024xf32, #tpu.memory_space<vmem>>, vector<1x1x1x16xf32>,
        %parallel_loop3A_660 = vector.shape_cast %parallel_loop3A_659 : vector<1x1x1x16xf32> to vector<16xf32>
        %parallel_loop3A_661 = arith.addf %parallel_loop3A_660, %parallel_loop3A_634 : vector<16xf32>
        %parallel_loop3A_662 = arith.constant 1 : i32
        %parallel_loop3A_663 = arith.constant 6 : i32
        %parallel_loop3A_664 = arith.index_cast %rem3A_93 : i32 to index
        %parallel_loop3A_665 = arith.index_cast %parallel_loop3A_662 : i32 to index
        %parallel_loop3A_666 = arith.index_cast %parallel_loop3A_663 : i32 to index
        %parallel_loop3A_667 = arith.index_cast %parallel_loop3A_160 : i32 to index
        %parallel_loop3A_668 = tpu.vector_load %arg6[%parallel_loop3A_664, %parallel_loop3A_665, %parallel_loop3A_666, %parallel_loop3A_667] {strides = array<i32>} : memref<2x4x8x1024xf32, #tpu.memory_space<vmem>>, vector<1x1x1x16xf32>,
        %parallel_loop3A_669 = vector.shape_cast %parallel_loop3A_668 : vector<1x1x1x16xf32> to vector<16xf32>
        %parallel_loop3A_670 = vector.shape_cast %parallel_loop3A_661 : vector<16xf32> to vector<1x1x1x16xf32>
        tpu.vector_store %arg6[%parallel_loop3A_664, %parallel_loop3A_665, %parallel_loop3A_666, %parallel_loop3A_667], %parallel_loop3A_670 {strides = array<i32>} : memref<2x4x8x1024xf32, #tpu.memory_space<vmem>>, vector<1x1x1x16xf32>,
        %parallel_loop3A_671 = arith.constant 2 : i32
        %parallel_loop3A_672 = arith.constant 6 : i32
        %parallel_loop3A_673 = arith.index_cast %rem3A_93 : i32 to index
        %parallel_loop3A_674 = arith.index_cast %parallel_loop3A_671 : i32 to index
        %parallel_loop3A_675 = arith.index_cast %parallel_loop3A_672 : i32 to index
        %parallel_loop3A_676 = arith.index_cast %parallel_loop3A_160 : i32 to index
        %parallel_loop3A_677 = tpu.vector_load %arg6[%parallel_loop3A_673, %parallel_loop3A_674, %parallel_loop3A_675, %parallel_loop3A_676] {strides = array<i32>} : memref<2x4x8x1024xf32, #tpu.memory_space<vmem>>, vector<1x1x1x16xf32>,
        %parallel_loop3A_678 = vector.shape_cast %parallel_loop3A_677 : vector<1x1x1x16xf32> to vector<16xf32>
        %parallel_loop3A_679 = arith.addf %parallel_loop3A_678, %parallel_loop3A_634 : vector<16xf32>
        %parallel_loop3A_680 = arith.constant 2 : i32
        %parallel_loop3A_681 = arith.constant 6 : i32
        %parallel_loop3A_682 = arith.index_cast %rem3A_93 : i32 to index
        %parallel_loop3A_683 = arith.index_cast %parallel_loop3A_680 : i32 to index
        %parallel_loop3A_684 = arith.index_cast %parallel_loop3A_681 : i32 to index
        %parallel_loop3A_685 = arith.index_cast %parallel_loop3A_160 : i32 to index
        %parallel_loop3A_686 = tpu.vector_load %arg6[%parallel_loop3A_682, %parallel_loop3A_683, %parallel_loop3A_684, %parallel_loop3A_685] {strides = array<i32>} : memref<2x4x8x1024xf32, #tpu.memory_space<vmem>>, vector<1x1x1x16xf32>,
        %parallel_loop3A_687 = vector.shape_cast %parallel_loop3A_686 : vector<1x1x1x16xf32> to vector<16xf32>
        %parallel_loop3A_688 = vector.shape_cast %parallel_loop3A_679 : vector<16xf32> to vector<1x1x1x16xf32>
        tpu.vector_store %arg6[%parallel_loop3A_682, %parallel_loop3A_683, %parallel_loop3A_684, %parallel_loop3A_685], %parallel_loop3A_688 {strides = array<i32>} : memref<2x4x8x1024xf32, #tpu.memory_space<vmem>>, vector<1x1x1x16xf32>,
        %parallel_loop3A_689 = arith.constant 3 : i32
        %parallel_loop3A_690 = arith.constant 6 : i32
        %parallel_loop3A_691 = arith.index_cast %rem3A_93 : i32 to index
        %parallel_loop3A_692 = arith.index_cast %parallel_loop3A_689 : i32 to index
        %parallel_loop3A_693 = arith.index_cast %parallel_loop3A_690 : i32 to index
        %parallel_loop3A_694 = arith.index_cast %parallel_loop3A_160 : i32 to index
        %parallel_loop3A_695 = tpu.vector_load %arg6[%parallel_loop3A_691, %parallel_loop3A_692, %parallel_loop3A_693, %parallel_loop3A_694] {strides = array<i32>} : memref<2x4x8x1024xf32, #tpu.memory_space<vmem>>, vector<1x1x1x16xf32>,
        %parallel_loop3A_696 = vector.shape_cast %parallel_loop3A_695 : vector<1x1x1x16xf32> to vector<16xf32>
        %parallel_loop3A_697 = arith.addf %parallel_loop3A_696, %parallel_loop3A_634 : vector<16xf32>
        %parallel_loop3A_698 = arith.constant 3 : i32
        %parallel_loop3A_699 = arith.constant 6 : i32
        %parallel_loop3A_700 = arith.index_cast %rem3A_93 : i32 to index
        %parallel_loop3A_701 = arith.index_cast %parallel_loop3A_698 : i32 to index
        %parallel_loop3A_702 = arith.index_cast %parallel_loop3A_699 : i32 to index
        %parallel_loop3A_703 = arith.index_cast %parallel_loop3A_160 : i32 to index
        %parallel_loop3A_704 = tpu.vector_load %arg6[%parallel_loop3A_700, %parallel_loop3A_701, %parallel_loop3A_702, %parallel_loop3A_703] {strides = array<i32>} : memref<2x4x8x1024xf32, #tpu.memory_space<vmem>>, vector<1x1x1x16xf32>,
        %parallel_loop3A_705 = vector.shape_cast %parallel_loop3A_704 : vector<1x1x1x16xf32> to vector<16xf32>
        %parallel_loop3A_706 = vector.shape_cast %parallel_loop3A_697 : vector<16xf32> to vector<1x1x1x16xf32>
        tpu.vector_store %arg6[%parallel_loop3A_700, %parallel_loop3A_701, %parallel_loop3A_702, %parallel_loop3A_703], %parallel_loop3A_706 {strides = array<i32>} : memref<2x4x8x1024xf32, #tpu.memory_space<vmem>>, vector<1x1x1x16xf32>,
        %parallel_loop3A_707 = arith.constant 7 : i32
        %parallel_loop3A_708 = arith.index_cast %rem3A_93 : i32 to index
        %parallel_loop3A_709 = arith.index_cast %parallel_loop3A_707 : i32 to index
        %parallel_loop3A_710 = arith.index_cast %parallel_loop3A_160 : i32 to index
        %parallel_loop3A_711 = tpu.vector_load %arg5[%parallel_loop3A_708, %parallel_loop3A_709, %parallel_loop3A_710] {strides = array<i32>} : memref<2x8x1024xf32, #tpu.memory_space<vmem>>, vector<1x1x16xf32>,
        %parallel_loop3A_712 = vector.shape_cast %parallel_loop3A_711 : vector<1x1x16xf32> to vector<16xf32>
        %parallel_loop3A_713 = arith.constant 0 : i32
        %parallel_loop3A_714 = arith.constant 7 : i32
        %parallel_loop3A_715 = arith.index_cast %rem3A_93 : i32 to index
        %parallel_loop3A_716 = arith.index_cast %parallel_loop3A_713 : i32 to index
        %parallel_loop3A_717 = arith.index_cast %parallel_loop3A_714 : i32 to index
        %parallel_loop3A_718 = arith.index_cast %parallel_loop3A_160 : i32 to index
        %parallel_loop3A_719 = tpu.vector_load %arg6[%parallel_loop3A_715, %parallel_loop3A_716, %parallel_loop3A_717, %parallel_loop3A_718] {strides = array<i32>} : memref<2x4x8x1024xf32, #tpu.memory_space<vmem>>, vector<1x1x1x16xf32>,
        %parallel_loop3A_720 = vector.shape_cast %parallel_loop3A_719 : vector<1x1x1x16xf32> to vector<16xf32>
        %parallel_loop3A_721 = arith.addf %parallel_loop3A_720, %parallel_loop3A_712 : vector<16xf32>
        %parallel_loop3A_722 = arith.constant 0 : i32
        %parallel_loop3A_723 = arith.constant 7 : i32
        %parallel_loop3A_724 = arith.index_cast %rem3A_93 : i32 to index
        %parallel_loop3A_725 = arith.index_cast %parallel_loop3A_722 : i32 to index
        %parallel_loop3A_726 = arith.index_cast %parallel_loop3A_723 : i32 to index
        %parallel_loop3A_727 = arith.index_cast %parallel_loop3A_160 : i32 to index
        %parallel_loop3A_728 = tpu.vector_load %arg6[%parallel_loop3A_724, %parallel_loop3A_725, %parallel_loop3A_726, %parallel_loop3A_727] {strides = array<i32>} : memref<2x4x8x1024xf32, #tpu.memory_space<vmem>>, vector<1x1x1x16xf32>,
        %parallel_loop3A_729 = vector.shape_cast %parallel_loop3A_728 : vector<1x1x1x16xf32> to vector<16xf32>
        %parallel_loop3A_730 = vector.shape_cast %parallel_loop3A_721 : vector<16xf32> to vector<1x1x1x16xf32>
        tpu.vector_store %arg6[%parallel_loop3A_724, %parallel_loop3A_725, %parallel_loop3A_726, %parallel_loop3A_727], %parallel_loop3A_730 {strides = array<i32>} : memref<2x4x8x1024xf32, #tpu.memory_space<vmem>>, vector<1x1x1x16xf32>,
        %parallel_loop3A_731 = arith.constant 1 : i32
        %parallel_loop3A_732 = arith.constant 7 : i32
        %parallel_loop3A_733 = arith.index_cast %rem3A_93 : i32 to index
        %parallel_loop3A_734 = arith.index_cast %parallel_loop3A_731 : i32 to index
        %parallel_loop3A_735 = arith.index_cast %parallel_loop3A_732 : i32 to index
        %parallel_loop3A_736 = arith.index_cast %parallel_loop3A_160 : i32 to index
        %parallel_loop3A_737 = tpu.vector_load %arg6[%parallel_loop3A_733, %parallel_loop3A_734, %parallel_loop3A_735, %parallel_loop3A_736] {strides = array<i32>} : memref<2x4x8x1024xf32, #tpu.memory_space<vmem>>, vector<1x1x1x16xf32>,
        %parallel_loop3A_738 = vector.shape_cast %parallel_loop3A_737 : vector<1x1x1x16xf32> to vector<16xf32>
        %parallel_loop3A_739 = arith.addf %parallel_loop3A_738, %parallel_loop3A_712 : vector<16xf32>
        %parallel_loop3A_740 = arith.constant 1 : i32
        %parallel_loop3A_741 = arith.constant 7 : i32
        %parallel_loop3A_742 = arith.index_cast %rem3A_93 : i32 to index
        %parallel_loop3A_743 = arith.index_cast %parallel_loop3A_740 : i32 to index
        %parallel_loop3A_744 = arith.index_cast %parallel_loop3A_741 : i32 to index
        %parallel_loop3A_745 = arith.index_cast %parallel_loop3A_160 : i32 to index
        %parallel_loop3A_746 = tpu.vector_load %arg6[%parallel_loop3A_742, %parallel_loop3A_743, %parallel_loop3A_744, %parallel_loop3A_745] {strides = array<i32>} : memref<2x4x8x1024xf32, #tpu.memory_space<vmem>>, vector<1x1x1x16xf32>,
        %parallel_loop3A_747 = vector.shape_cast %parallel_loop3A_746 : vector<1x1x1x16xf32> to vector<16xf32>
        %parallel_loop3A_748 = vector.shape_cast %parallel_loop3A_739 : vector<16xf32> to vector<1x1x1x16xf32>
        tpu.vector_store %arg6[%parallel_loop3A_742, %parallel_loop3A_743, %parallel_loop3A_744, %parallel_loop3A_745], %parallel_loop3A_748 {strides = array<i32>} : memref<2x4x8x1024xf32, #tpu.memory_space<vmem>>, vector<1x1x1x16xf32>,
        %parallel_loop3A_749 = arith.constant 2 : i32
        %parallel_loop3A_750 = arith.constant 7 : i32
        %parallel_loop3A_751 = arith.index_cast %rem3A_93 : i32 to index
        %parallel_loop3A_752 = arith.index_cast %parallel_loop3A_749 : i32 to index
        %parallel_loop3A_753 = arith.index_cast %parallel_loop3A_750 : i32 to index
        %parallel_loop3A_754 = arith.index_cast %parallel_loop3A_160 : i32 to index
        %parallel_loop3A_755 = tpu.vector_load %arg6[%parallel_loop3A_751, %parallel_loop3A_752, %parallel_loop3A_753, %parallel_loop3A_754] {strides = array<i32>} : memref<2x4x8x1024xf32, #tpu.memory_space<vmem>>, vector<1x1x1x16xf32>,
        %parallel_loop3A_756 = vector.shape_cast %parallel_loop3A_755 : vector<1x1x1x16xf32> to vector<16xf32>
        %parallel_loop3A_757 = arith.addf %parallel_loop3A_756, %parallel_loop3A_712 : vector<16xf32>
        %parallel_loop3A_758 = arith.constant 2 : i32
        %parallel_loop3A_759 = arith.constant 7 : i32
        %parallel_loop3A_760 = arith.index_cast %rem3A_93 : i32 to index
        %parallel_loop3A_761 = arith.index_cast %parallel_loop3A_758 : i32 to index
        %parallel_loop3A_762 = arith.index_cast %parallel_loop3A_759 : i32 to index
        %parallel_loop3A_763 = arith.index_cast %parallel_loop3A_160 : i32 to index
        %parallel_loop3A_764 = tpu.vector_load %arg6[%parallel_loop3A_760, %parallel_loop3A_761, %parallel_loop3A_762, %parallel_loop3A_763] {strides = array<i32>} : memref<2x4x8x1024xf32, #tpu.memory_space<vmem>>, vector<1x1x1x16xf32>,
        %parallel_loop3A_765 = vector.shape_cast %parallel_loop3A_764 : vector<1x1x1x16xf32> to vector<16xf32>
        %parallel_loop3A_766 = vector.shape_cast %parallel_loop3A_757 : vector<16xf32> to vector<1x1x1x16xf32>
        tpu.vector_store %arg6[%parallel_loop3A_760, %parallel_loop3A_761, %parallel_loop3A_762, %parallel_loop3A_763], %parallel_loop3A_766 {strides = array<i32>} : memref<2x4x8x1024xf32, #tpu.memory_space<vmem>>, vector<1x1x1x16xf32>,
        %parallel_loop3A_767 = arith.constant 3 : i32
        %parallel_loop3A_768 = arith.constant 7 : i32
        %parallel_loop3A_769 = arith.index_cast %rem3A_93 : i32 to index
        %parallel_loop3A_770 = arith.index_cast %parallel_loop3A_767 : i32 to index
        %parallel_loop3A_771 = arith.index_cast %parallel_loop3A_768 : i32 to index
        %parallel_loop3A_772 = arith.index_cast %parallel_loop3A_160 : i32 to index
        %parallel_loop3A_773 = tpu.vector_load %arg6[%parallel_loop3A_769, %parallel_loop3A_770, %parallel_loop3A_771, %parallel_loop3A_772] {strides = array<i32>} : memref<2x4x8x1024xf32, #tpu.memory_space<vmem>>, vector<1x1x1x16xf32>,
        %parallel_loop3A_774 = vector.shape_cast %parallel_loop3A_773 : vector<1x1x1x16xf32> to vector<16xf32>
        %parallel_loop3A_775 = arith.addf %parallel_loop3A_774, %parallel_loop3A_712 : vector<16xf32>
        %parallel_loop3A_776 = arith.constant 3 : i32
        %parallel_loop3A_777 = arith.constant 7 : i32
        %parallel_loop3A_778 = arith.index_cast %rem3A_93 : i32 to index
        %parallel_loop3A_779 = arith.index_cast %parallel_loop3A_776 : i32 to index
        %parallel_loop3A_780 = arith.index_cast %parallel_loop3A_777 : i32 to index
        %parallel_loop3A_781 = arith.index_cast %parallel_loop3A_160 : i32 to index
        %parallel_loop3A_782 = tpu.vector_load %arg6[%parallel_loop3A_778, %parallel_loop3A_779, %parallel_loop3A_780, %parallel_loop3A_781] {strides = array<i32>} : memref<2x4x8x1024xf32, #tpu.memory_space<vmem>>, vector<1x1x1x16xf32>,
        %parallel_loop3A_783 = vector.shape_cast %parallel_loop3A_782 : vector<1x1x1x16xf32> to vector<16xf32>
        %parallel_loop3A_784 = vector.shape_cast %parallel_loop3A_775 : vector<16xf32> to vector<1x1x1x16xf32>
        tpu.vector_store %arg6[%parallel_loop3A_778, %parallel_loop3A_779, %parallel_loop3A_780, %parallel_loop3A_781], %parallel_loop3A_784 {strides = array<i32>} : memref<2x4x8x1024xf32, #tpu.memory_space<vmem>>, vector<1x1x1x16xf32>,
      } {sc.loop_unroll_factor = 4 : i64, sc.parallel_access}
      %mul3A_138 = arith.constant 8 : i32
      %mul3A_139 = arith.muli %scan3A_92, %mul3A_138 : i32
      %add3A_140 = arith.addi %mul3A_2, %mul3A_139 : i32
      %dma_start3A_141 = arith.constant 2 : i32
      %dma_start3A_142 = arith.constant 0 : i32
      %dma_start3A_143 = arith.constant 0 : i32
      %dma_start3A_144 = arith.constant 0 : i32
      %dma_start3A_145 = tpu.memref_slice %arg6[%rem3A_93, %dma_start3A_142, %dma_start3A_143, %dma_start3A_144] : memref<2x4x8x1024xf32, #tpu.memory_space<vmem>> -> memref<1x4x8x1024xf32, #tpu.memory_space<vmem>>
      %dma_start3A_146 = tpu.memref_squeeze %dma_start3A_145 : memref<1x4x8x1024xf32, #tpu.memory_space<vmem>> -> memref<4x8x1024xf32, #tpu.memory_space<vmem>>
      %dma_start3A_147 = arith.constant 0 : i32
      %dma_start3A_148 = arith.constant 0 : i32
      %dma_start3A_149 = tpu.memref_slice %arg4[%dma_start3A_147, %add3A_140, %dma_start3A_148] : memref<4x8192x1024xf32, #tpu.memory_space<hbm>> -> memref<4x8x1024xf32, #tpu.memory_space<hbm>>
      %dma_start3A_150 = tpu.memref_slice %arg7[%rem3A_93, %dma_start3A_141] : memref<2x3x!tpu.dma_semaphore, #tpu.memory_space<semaphore_mem>> -> memref<1x1x!tpu.dma_semaphore, #tpu.memory_space<semaphore_mem>>
      %dma_start3A_151 = tpu.memref_squeeze %dma_start3A_150 : memref<1x1x!tpu.dma_semaphore, #tpu.memory_space<semaphore_mem>> -> memref<!tpu.dma_semaphore, #tpu.memory_space<semaphore_mem>>
      %dma_start3A_152 = arith.constant 0 : i32
      %dma_start3A_153 = arith.constant 0 : i32
      %dma_start3A_154 = tpu.memref_slice %arg4[%dma_start3A_152, %add3A_140, %dma_start3A_153] : memref<4x8192x1024xf32, #tpu.memory_space<hbm>> -> memref<4x8x1024xf32, #tpu.memory_space<hbm>>
      %dma_start3A_155 = arith.constant 0 : i32
      %dma_start3A_156 = arith.constant 0 : i32
      %dma_start3A_157 = arith.constant 0 : i32
      %dma_start3A_158 = tpu.memref_slice %arg6[%rem3A_93, %dma_start3A_155, %dma_start3A_156, %dma_start3A_157] : memref<2x4x8x1024xf32, #tpu.memory_space<vmem>> -> memref<1x4x8x1024xf32, #tpu.memory_space<vmem>>
      %dma_start3A_159 = tpu.memref_squeeze %dma_start3A_158 : memref<1x4x8x1024xf32, #tpu.memory_space<vmem>> -> memref<4x8x1024xf32, #tpu.memory_space<vmem>>
      tpu.enqueue_dma source(%dma_start3A_159 : memref<4x8x1024xf32, #tpu.memory_space<vmem>>) target(%dma_start3A_154 : memref<4x8x1024xf32, #tpu.memory_space<hbm>>) target_semaphore(%dma_start3A_151 : memref<!tpu.dma_semaphore, #tpu.memory_space<semaphore_mem>>)
    }
    %scan3A_46 = arith.constant 32 : i32
    %add3A_47 = arith.constant 240 : i32
    %add3A_48 = arith.addi %mul3A_2, %add3A_47 : i32
    %dma_wait3A = arith.constant 0 : i32
    %dma_wait3A_49 = arith.constant 0 : i32
    %dma_wait3A_50 = arith.constant 2 : i32
    %dma_wait3A_51 = arith.constant 0 : i32
    %dma_wait3A_52 = arith.constant 0 : i32
    %dma_wait3A_53 = arith.constant 0 : i32
    %dma_wait3A_54 = tpu.memref_slice %arg6[%dma_wait3A, %dma_wait3A_51, %dma_wait3A_52, %dma_wait3A_53] : memref<2x4x8x1024xf32, #tpu.memory_space<vmem>> -> memref<1x4x8x1024xf32, #tpu.memory_space<vmem>>
    %dma_wait3A_55 = tpu.memref_squeeze %dma_wait3A_54 : memref<1x4x8x1024xf32, #tpu.memory_space<vmem>> -> memref<4x8x1024xf32, #tpu.memory_space<vmem>>
    %dma_wait3A_56 = arith.constant 0 : i32
    %dma_wait3A_57 = arith.constant 0 : i32
    %dma_wait3A_58 = tpu.memref_slice %arg4[%dma_wait3A_56, %add3A_48, %dma_wait3A_57] : memref<4x8192x1024xf32, #tpu.memory_space<hbm>> -> memref<4x8x1024xf32, #tpu.memory_space<hbm>>
    %dma_wait3A_59 = tpu.memref_slice %arg7[%dma_wait3A_49, %dma_wait3A_50] : memref<2x3x!tpu.dma_semaphore, #tpu.memory_space<semaphore_mem>> -> memref<1x1x!tpu.dma_semaphore, #tpu.memory_space<semaphore_mem>>
    %dma_wait3A_60 = tpu.memref_squeeze %dma_wait3A_59 : memref<1x1x!tpu.dma_semaphore, #tpu.memory_space<semaphore_mem>> -> memref<!tpu.dma_semaphore, #tpu.memory_space<semaphore_mem>>
    %dma_wait3A_61 = arith.constant 0 : i32
    %dma_wait3A_62 = arith.constant 0 : i32
    %dma_wait3A_63 = tpu.memref_slice %arg4[%dma_wait3A_61, %add3A_48, %dma_wait3A_62] : memref<4x8192x1024xf32, #tpu.memory_space<hbm>> -> memref<4x8x1024xf32, #tpu.memory_space<hbm>>
    %dma_wait3A_64 = arith.constant 0 : i32
    %dma_wait3A_65 = arith.constant 0 : i32
    %dma_wait3A_66 = arith.constant 0 : i32
    %dma_wait3A_67 = tpu.memref_slice %arg6[%dma_wait3A, %dma_wait3A_64, %dma_wait3A_65, %dma_wait3A_66] : memref<2x4x8x1024xf32, #tpu.memory_space<vmem>> -> memref<1x4x8x1024xf32, #tpu.memory_space<vmem>>
    %dma_wait3A_68 = tpu.memref_squeeze %dma_wait3A_67 : memref<1x4x8x1024xf32, #tpu.memory_space<vmem>> -> memref<4x8x1024xf32, #tpu.memory_space<vmem>>
    tpu.wait_dma2 semaphore(%dma_wait3A_60 : memref<!tpu.dma_semaphore, #tpu.memory_space<semaphore_mem>>) src(%dma_wait3A_68 : memref<4x8x1024xf32, #tpu.memory_space<vmem>>) dst(%dma_wait3A_63 : memref<4x8x1024xf32, #tpu.memory_space<hbm>>)
    %add3A_69 = arith.constant 248 : i32
    %add3A_70 = arith.addi %mul3A_2, %add3A_69 : i32
    %dma_wait3A_71 = arith.constant 1 : i32
    %dma_wait3A_72 = arith.constant 1 : i32
    %dma_wait3A_73 = arith.constant 2 : i32
    %dma_wait3A_74 = arith.constant 0 : i32
    %dma_wait3A_75 = arith.constant 0 : i32
    %dma_wait3A_76 = arith.constant 0 : i32
    %dma_wait3A_77 = tpu.memref_slice %arg6[%dma_wait3A_71, %dma_wait3A_74, %dma_wait3A_75, %dma_wait3A_76] : memref<2x4x8x1024xf32, #tpu.memory_space<vmem>> -> memref<1x4x8x1024xf32, #tpu.memory_space<vmem>>
    %dma_wait3A_78 = tpu.memref_squeeze %dma_wait3A_77 : memref<1x4x8x1024xf32, #tpu.memory_space<vmem>> -> memref<4x8x1024xf32, #tpu.memory_space<vmem>>
    %dma_wait3A_79 = arith.constant 0 : i32
    %dma_wait3A_80 = arith.constant 0 : i32
    %dma_wait3A_81 = tpu.memref_slice %arg4[%dma_wait3A_79, %add3A_70, %dma_wait3A_80] : memref<4x8192x1024xf32, #tpu.memory_space<hbm>> -> memref<4x8x1024xf32, #tpu.memory_space<hbm>>
    %dma_wait3A_82 = tpu.memref_slice %arg7[%dma_wait3A_72, %dma_wait3A_73] : memref<2x3x!tpu.dma_semaphore, #tpu.memory_space<semaphore_mem>> -> memref<1x1x!tpu.dma_semaphore, #tpu.memory_space<semaphore_mem>>
    %dma_wait3A_83 = tpu.memref_squeeze %dma_wait3A_82 : memref<1x1x!tpu.dma_semaphore, #tpu.memory_space<semaphore_mem>> -> memref<!tpu.dma_semaphore, #tpu.memory_space<semaphore_mem>>
    %dma_wait3A_84 = arith.constant 0 : i32
    %dma_wait3A_85 = arith.constant 0 : i32
    %dma_wait3A_86 = tpu.memref_slice %arg4[%dma_wait3A_84, %add3A_70, %dma_wait3A_85] : memref<4x8192x1024xf32, #tpu.memory_space<hbm>> -> memref<4x8x1024xf32, #tpu.memory_space<hbm>>
    %dma_wait3A_87 = arith.constant 0 : i32
    %dma_wait3A_88 = arith.constant 0 : i32
    %dma_wait3A_89 = arith.constant 0 : i32
    %dma_wait3A_90 = tpu.memref_slice %arg6[%dma_wait3A_71, %dma_wait3A_87, %dma_wait3A_88, %dma_wait3A_89] : memref<2x4x8x1024xf32, #tpu.memory_space<vmem>> -> memref<1x4x8x1024xf32, #tpu.memory_space<vmem>>
    %dma_wait3A_91 = tpu.memref_squeeze %dma_wait3A_90 : memref<1x4x8x1024xf32, #tpu.memory_space<vmem>> -> memref<4x8x1024xf32, #tpu.memory_space<vmem>>
    tpu.wait_dma2 semaphore(%dma_wait3A_83 : memref<!tpu.dma_semaphore, #tpu.memory_space<semaphore_mem>>) src(%dma_wait3A_91 : memref<4x8x1024xf32, #tpu.memory_space<vmem>>) dst(%dma_wait3A_86 : memref<4x8x1024xf32, #tpu.memory_space<hbm>>)
    return
  }
}

</mosaic_0001>

<sc_bundles>
// kernel: kernel.3.cloned.1.call-start
scs
__scs_entry_jumppad:
0x0: {  	(pc) =	sbr.rel $0x88, $3  }
0x1: {  	(tag) =	ssettag $0x0;
	lr =	simm.s32 $0x1  }
0x2: {  	[smem:$0x3F9F] =	sst lr;
	_ =	strace $0xD0000000  }
0x3: {  	_ = 	snop  }
0x4: {  	_ = 	snop  }
0x5: {  	_ = 	snop  }
0x6: {  	_ = 	snop  }
0x7: {  	_ = 	snop  }
__scs_overlays_trampoline_lowered:
0x8: {  	[smem:$0x3FAE] =	sst s0  }
0x9: {  	[smem:$0x3FAF] =	sst s1  }
0xa: {  	[smem:$0x3FB0] =	sst s2  }
0xb: {  	[smem:$0x3FB1] =	sst s3  }
0xc: {  	[smem:$0x3FB2] =	sst s4  }
0xd: {  	[smem:$0x3FB3] =	sst s5  }
0xe: {  	[smem:$0x3FB4] =	sst s6  }
0xf: {  	[smem:$0x3FB5] =	sst s7  }
0x10: {  	[smem:$0x3FB6] =	sst s8  }
0x11: {  	[smem:$0x3FB7] =	sst s9;
	s0 =	simm.s32 @!p0 $0x0  }
0x12: {  	s1 =	sld [smem:$0x3F9D];
	s0 =	simm.s32 @p0 $0x1  }
0x13: {  	[smem:$0x3FB8] =	sst s0;
	s0 =	simm.s32 @!p1 $0x0  }
0x14: {  	s2 =	sld [smem:$0x3F9C];
	s0 =	simm.s32 @p1 $0x1  }
0x15: {  	[smem:$0x3FB9] =	sst s0;
	s0 =	simm.s32 @!p2 $0x0  }
0x16: {  	s3 =	sld [smem:$0x3FDB];
	s0 =	simm.s32 @p2 $0x1  }
0x17: {  	s4 =	simm.s32 $0x1BF5;
	[smem:$0x3FBB] =	sst s0  }
0x18: {  	s0 =	sld [smem:$0x3F9E];
	_ =	swait.ge [sflag:s4], $0x0  }
0x19: {  	s7 =	sld [smem:$0x3F9F]  }
0x1a: {  	s8 =	sadd.s32 $0xFFFFE003, lr  }
0x1b: {  	s9 =	sadd.s32 $0xFFFFFEF7, lr;
	s5 =	simm.s32 $0xFFFFFFFF;
	p2 =	slt.u32 s8, $0xFFFFF086  }
0x1c: {  	p1 =	slt.u32 s9, $0xF7A;
	s5 =	simm.s32 @!p2 $0x0  }
0x1d: {  	s5 =	simm.s32 @p1 $0x1;
	p0 =	seq.s32 s7, s2  }
0x1e: {  	s7 =	smul.u32 @!p0 $0xF7A, s2;
	p2 =	seq.s32 @!p0 s5, $0x0  }
0x1f: {  	s9 =	smul.u32 $0xF7A, s1;
	s8 =	simm.s32 @!p0 $0x1BF5;
	p2 =	por !p2, p0  }
0x20: {  	[sflag:s8] =	ssyncset.s32 @!p0 $0xFFFFF086;
	s6 =	sadd.s32 @!p0 s3, s7;
	s7 =	simm.s32 @!p0 $0x108  }
0x21: {  	s3 =	sadd.s32 s3, s9;
	s6 =	sadd.s32 @!p0 $0x88, s6;
	s7 =	simm.s32 @p2 $0x1082  }
0x22: {  	[simem:s7], [sflag:s8] =	dma.local @!p0 [hbm:s6], $0xF7A  }
0x23: {  	s9 =	sor.u32 $0xD0000000, s2;
	s6 =	simm.s32 $0x108;
	_ =	swait.ge @!p0 [sflag:s8], $0x0  }
0x24: {  	s3 =	sadd.s32 $0x88, s3;
	s6 =	simm.s32 @!p1 $0x1082;
	[sflag:s4] =	ssyncset.s32 $0xFFFFF086  }
0x25: {  	[simem:s6], [sflag:s4] =	dma.local [hbm:s3], $0xF7A  }
0x26: {  	[smem:$0x3F9F] =	sst s1;
	(tag) =	ssettag s2;
	_ =	strace s9  }
0x27: {  	s1 =	sld [smem:$0x3FAF]  }
0x28: {  	s2 =	sld [smem:$0x3FB0]  }
0x29: {  	s4 =	sld [smem:$0x3FB2]  }
0x2a: {  	p0 =	seq.s32 s5, $0x0;
	s5 =	sld [smem:$0x3FB3]  }
0x2b: {  	s6 =	sld [smem:$0x3FB4]  }
0x2c: {  	s7 =	sld [smem:$0x3FB5]  }
0x2d: {  	s3 =	simm.s32 $0x108;
	s8 =	sld [smem:$0x3FB6]  }
0x2e: {  	s3 =	simm.s32 @!p0 $0x1082;
	s9 =	sld [smem:$0x3FB7]  }
0x2f: {  	lr =	sadd.s32 s0, s3;
	s0 =	sld [smem:$0x3FAE]  }
0x30: {  	s3 =	sld [smem:$0x3FB1]  }
0x31: {  	[smem:$0x3FBA] =	sst s10  }
0x32: {  	s10 =	sld [smem:$0x3FB8];
	_ =	sdelay $0x3  }
0x33: {  	p0 =	seq.s32 s10, $0x1;
	s10 =	sld [smem:$0x3FBA];
	_ =	sdelay $0x3  }
0x34: {  	[smem:$0x3FBA] =	sst s10  }
0x35: {  	s10 =	sld [smem:$0x3FB9];
	_ =	sdelay $0x3  }
0x36: {  	p1 =	seq.s32 s10, $0x1;
	s10 =	sld [smem:$0x3FBA];
	_ =	sdelay $0x3  }
0x37: {  	[smem:$0x3FBA] =	sst s10  }
0x38: {  	s10 =	sld [smem:$0x3FBB]  }
0x39: {  	_ = 	snop;
	(pc) =	sbr.ind lr, $3  }
0x3a: {  	_ = 	snop  }
0x3b: {  	_ = 	snop  }
0x3c: {  	p2 =	seq.s32 s10, $0x1;
	s10 =	sld [smem:$0x3FBA]  }
0x3d: {  	_ =	shalt  }
0x3e: {  	_ =	shalt  }
0x3f: {  	_ =	shalt  }
0x40: {  	_ =	shalt  }
0x41: {  	_ =	shalt  }
0x42: {  	_ =	shalt  }
0x43: {  	_ =	shalt  }
0x44: {  	_ =	shalt  }
0x45: {  	_ =	shalt  }
0x46: {  	_ =	shalt  }
0x47: {  	_ =	shalt  }
0x48: {  	_ =	shalt  }
0x49: {  	_ =	shalt  }
0x4a: {  	_ =	shalt  }
0x4b: {  	_ =	shalt  }
0x4c: {  	_ =	shalt  }
0x4d: {  	_ =	shalt  }
0x4e: {  	_ =	shalt  }
0x4f: {  	_ =	shalt  }
0x50: {  	_ =	shalt  }
0x51: {  	_ =	shalt  }
0x52: {  	_ =	shalt  }
0x53: {  	_ =	shalt  }
0x54: {  	_ =	shalt  }
0x55: {  	_ =	shalt  }
0x56: {  	_ =	shalt  }
0x57: {  	_ =	shalt  }
0x58: {  	_ =	shalt  }
0x59: {  	_ =	shalt  }
0x5a: {  	_ =	shalt  }
0x5b: {  	_ =	shalt  }
0x5c: {  	_ =	shalt  }
0x5d: {  	_ =	shalt  }
0x5e: {  	_ =	shalt  }
0x5f: {  	_ =	shalt  }
0x60: {  	_ =	shalt  }
0x61: {  	_ =	shalt  }
0x62: {  	_ =	shalt  }
0x63: {  	_ =	shalt  }
0x64: {  	_ =	shalt  }
0x65: {  	_ =	shalt  }
0x66: {  	_ =	shalt  }
0x67: {  	_ =	shalt  }
0x68: {  	_ =	shalt  }
0x69: {  	_ =	shalt  }
0x6a: {  	_ =	shalt  }
0x6b: {  	_ =	shalt  }
0x6c: {  	_ =	shalt  }
0x6d: {  	_ =	shalt  }
0x6e: {  	_ =	shalt  }
0x6f: {  	_ =	shalt  }
0x70: {  	_ =	shalt  }
0x71: {  	_ =	shalt  }
0x72: {  	_ =	shalt  }
0x73: {  	_ =	shalt  }
0x74: {  	_ =	shalt  }
0x75: {  	_ =	shalt  }
0x76: {  	_ =	shalt  }
0x77: {  	_ =	shalt  }
0x78: {  	_ =	shalt  }
0x79: {  	_ =	shalt  }
0x7a: {  	_ =	shalt  }
0x7b: {  	_ =	shalt  }
0x7c: {  	_ =	shalt  }
0x7d: {  	_ =	shalt  }
0x7e: {  	_ =	shalt  }
0x7f: {  	_ =	shalt  }
0x80: {  	_ =	shalt  }
0x81: {  	_ =	shalt  }
0x82: {  	_ =	shalt  }
0x83: {  	_ =	shalt  }
0x84: {  	_ =	shalt  }
0x85: {  	_ =	shalt  }
0x86: {  	_ =	shalt  }
0x87: {  	_ =	shalt  }
.Lfunc_end0:
.L_simem_size_0:
called_computation_lowered:
.L_overlay_start_0:
0x88: {  	s2 =	sld [smem:$0x3FD9]  }
0x89: {  	s3 =	sld [smem:$0x3FFE];
	_ =	sdelay $0x1  }
0x8a: {  	s1 =	srdreg.scid  }
0x8b: {  	s0 =	sand.u32 $0x1, s1  }
0x8c: {  	s18 =	sshll.u32 s0, $0xA;
	s2 =	sadd.s32 s3, s2  }
0x8d: {  	s2 =	sadd.s32 s2, s18  }
0x8e: {  	[smem:$0x3FC6] =	sst s2  }
0x8f: {  	_ = 	snop  }
0x90: {  	s2 =	sld [smem:$0x3FC9]  }
0x91: {  	s19 =	sld [smem:$0x3FC8]  }
0x92: {  	s4 =	sld [smem:$0x3FD0];
	(tm) =	ssettm $0x1  }
0x93: {  	s5 =	sld [smem:$0x3FFB];
	_ =	sdelay $0x3  }
0x94: {  	_ =	strace s5  }
0x95: {  	s5 =	sld [smem:$0x3FFC];
	_ =	sdelay $0x3  }
0x96: {  	_ =	strace s5  }
0x97: {  	s5 =	sld [smem:$0x3FFD];
	_ =	sdelay $0x3  }
0x98: {  	_ =	strace s5  }
0x99: {  	_ =	strace $0x8FFFFFFF  }
0x9a: {  	s20 =	sld [smem:$0x3FDB];
	_ =	sdelay $0x1  }
0x9b: {  	s6 =	simm.s32 $_scs_section_size  }
0x9c: {  	s7 =	simm.s32 $_size__tile_overlayer_lowered;
	s8 =	simm.s32 $_tile_overlayer_lowered  }
0x9d: {  	s23 =	simm.s32 $0x1BFF;
	s22 =	sshll.u32 s8, $0x1;
	s5 =	sadd.s32 s6, s20  }
0x9e: {  	s9 =	simm.s32 $0x0;
	s21 =	sshll.u32 s7, $0x1;
	s7 =	sadd.s32 s22, s5  }
0x9f: {  	[timem:s9], [sflag:s23] =	dma.local [hbm:s7], s21  }
0xa0: {  	_ =	swait.ge [sflag:s23], s21  }
0xa1: {  	s6 =	ssub.s32 $0x0, s21;
	[sflag:s23] =	ssyncset.done $0x0  }
0xa2: {  	[sflag:s23] =	ssyncadd.s32 s6;
	_ =	sdelay $0x1  }
0xa3: {  	s24 =	simm.s32 $0x1B8B  }
0xa4: {  	_ =	swait.ge [sflag:s24], $0x1  }
0xa5: {  	[sflag:s24] =	ssyncset.done $0x0  }
0xa6: {  	s25 =	simm.s32 $0x1B8E;
	[sflag:s24] =	ssyncadd.s32 $0xFFFFFFFF  }
0xa7: {  	s26 =	simm.s32 $execute0_lowered;
	[smem:$0x3FD2] =	sst s25  }
0xa8: {  	s6 =	sshll.u32 s26, $0x1;
	_ =	strace $0x80000046;
	[dreg:$0x1] =	wrdreg $0xFFFFFFFF  }
0xa9: {  	s28 =	simm.s32 $_size_execute0_lowered;
	s5 =	sadd.s32 s5, s6;
	[dreg:$0x0] =	wrdreg $0x0  }
0xaa: {  	s6 =	sshll.u32 s28, $0x1;
	[dreg:$0x2] =	wrdreg s5  }
0xab: {  	[dreg:$0x3] =	wrdreg s6  }
0xac: {  	[dreg:$0x4] =	wrdreg $0xC0  }
0xad: {  	_ =	task [dreg:s9], $0x5FFFF  }
0xae: {  	[dreg:$0x1] =	wrdreg $0xFFFFFFFF  }
0xaf: {  	[dreg:$0x0] =	wrdreg $0x60  }
0xb0: {  	[dreg:$0x2] =	wrdreg s2  }
0xb1: {  	[dreg:$0x3] =	wrdreg s19  }
0xb2: {  	[dreg:$0x4] =	wrdreg s4  }
0xb3: {  	[dreg:$0x5] =	wrdreg $0x9  }
0xb4: {  	_ =	task.clear_ibuf [dreg:s9], $0x6FFFF;
	_ =	strace $0x90000046  }
0xb5: {  	s29 =	simm.s32 $0x9;
	_ =	strace $0x80000048  }
0xb6: {  	_ =	swait.ge [sflag:s29], $0x1  }
0xb7: {  	[sflag:s29] =	ssyncadd.s32 $0xFFFFFFFF  }
0xb8: {  	_ =	strace $0x90000048  }
0xb9: {  	_ =	sfence  }
0xba: {  	s30 =	sld [smem:$0x0];
	_ =	sdelay $0x2  }
0xbb: {  	s31 =	sshll.u32 s1, $0xD;
	s1 =	sshrl.u32 s1, $0x2  }
0xbc: {  	s3 =	sand.u32 $0x4000, s31;
	s1 =	sadd.s32 s1, s30  }
0xbd: {  	s0 =	sor.u32 s3, s0;
	s1 =	sshll.u32 s1, $0x11  }
0xbe: {  	s0 =	sor.u32 s1, s0  }
0xbf: {  	s0 =	sadd.s32 $0x8F2B, s0  }
0xc0: {  	[sflag:s0] =	ssyncadd.remote.s32 $0x1  }
0xc1: {  	_ =	sfence.sel $0xFFFF  }
0xc2: {  	[dreg:$0x0] =	wrdreg $0xFFFFFFFF;
	(pc) =	sbr.abs _section_cstart, $3  }
0xc3: {  	[dreg:$0x1] =	wrdreg $0xFFFFFFFF  }
0xc4: {  	_ =	task.clear_ibuf [dreg:s9], $0x2FFFF;
	_ =	strace $0x9FFFFFFF  }
0xc5: {  	(tm) =	ssettm $0x7FFFFFFF  }
tec
execute0_lowered:
.L_overlay_start_1:
0x0: {  	(tag) =	ssettag $0x1  }
0x1: {  	s0 =	srdreg.scid  }
0x2: {  	s1 =	stileid.u32;
	s0 =	sand.u32 $0x1, s0  }
0x3: {  	s4 =	rddreg [dreg:$0x0];
	s1 =	sshll.u32 s1, $0x9;
	s2 =	sshll.u32 s0, $0x8  }
0x4: {  	s5 =	rddreg [dreg:$0x1];
	s3 =	simm.s32 $0x0;
	s1 =	sor.u32 s2, s1  }
0x5: {  	[smem:$0x7FF] =	sst s3;
	s0 =	ssub.s32 $0x2, s0;
	s29 =	sshll.u32 s1, $0x7  }
0x6: {  	_ =	strace $0x80000047;
	s28 =	sshrl.u32 s0, $0x1;
	s30 =	sadd.s32 s5, s29  }
0x7: {  	s0 =	ssub.s32 s0, s28;
	s31 =	sadd.s32 s4, s29;
	[dreg:$0x6] =	wrdreg s30  }
0x8: {  	s0 =	smax.u32 s0, $0x1;
	[dreg:$0x7] =	wrdreg s31  }
0x9: {  	s5 =	sshrl.u32 s1, $0x3;
	[dreg:$0x9] =	wrdreg s0  }
0xa: {  	s2 =	simm.s32 $0x0;
	[dreg:$0x8] =	wrdreg s5  }
.LBB2_1:
0xb: {  	[dreg:$0xa] =	wrdreg s2  }
0xc: {  	s1 =	rddreg [dreg:$0x6]  }
0xd: {  	s0 =	simm.s32 $0x0;
	s29 =	rddreg [dreg:$0x7];
	s30 =	simm.s32 $0x2000  }
0xe: {  	[tilespmem:s0], [sflag:$0x1] =	stream.linear.gather [hbm4b:s1+s0], $0x2000, $0x38;
	[tilespmem:$0x14000] =	vst v63  }
0xf: {  	s31 =	simm.s32 $0x800000;
	s3 =	simm.s32 $0x4000;
	s6 =	simm.s32 $0x0  }
0x10: {  	[tilespmem:s3], [sflag:$0x2] =	stream.strided.gather [hbm4b:s29+s30], $0x8000, s31, s30, $0x38;
	[tilespmem:$0x14000] =	vst v63  }
.LBB2_2:
0x11: {  	p0 =	seq.s32 s6, $0x1F  }
0x12: {  	s0 =	sand.u32 $0x1, s6;
	p1 =	sne.s32 @!p0 s6, $0x0  }
0x13: {  	s1 =	sxor.u32 $0x1, s0;
	p2 =	por !p1, p0  }
0x14: {  	s22 =	simm.s32 $0x0;
	s16 =	simm.s32 $0x0;
	s2 =	smul.u32 @!p2 $0xC, s1  }
0x15: {  	s7 =	simm.s32 @!p0 $0x0;
	s9 =	smul.u32 $0xC, s0;
	p1 =	por p1, p0  }
0x16: {  	s0 =	sshll.u32 s0, $0xF;
	s4 =	smul.u32 @!p1 $0xC, s1;
	s3 =	sshrl.u32 @!p2 s2, $0x2  }
0x17: {  	s1 =	sshll.u32 @!p0 s1, $0xF;
	s10 =	sshrl.u32 s9, $0x2;
	s3 =	sadd.s32 @!p2 $0x3, s3  }
0x18: {  	s11 =	sadd.s32 $0x1, s10;
	s2 =	smov.u32 @p2 s4;
	_ =	swait.ge @!p2 [sflag:s3], $0x8000  }
0x19: {  	[dreg:$0xb] =	wrdreg s6;
	s6 =	sadd.s32 $0x1, s6;
	[sflag:s3] =	ssyncset.done @!p2 $0x0  }
0x1a: {  	[dreg:$0xc] =	wrdreg s6;
	[sflag:s3] =	ssyncadd.s32 @!p2 $0xFFFF8000;
	s3 =	sadd.s32 @!p0 s5, s6  }
0x1b: {  	s2 =	sshrl.u32 @!p0 s2, $0x2;
	s3 =	sshll.u32 @!p0 s3, $0xA;
	s6 =	rddreg [dreg:$0x1]  }
0x1c: {  	s4 =	sshrl.u32 @!p0 s1, $0x2;
	s5 =	sadd.s32 @!p0 $0x1, s2;
	s6 =	sadd.s32 @!p0 s6, s3  }
0x1d: {  	[tilespmem:s4], [sflag:s5] =	stream.linear.gather @!p0 [hbm4b:s6+s7], $0x2000, $0x38;
	[tilespmem:$0x14000] =	vst v63  }
0x1e: {  	s1 =	sor.u32 @!p0 $0x4000, s1;
	s2 =	sadd.s32 @!p0 $0x2, s2;
	s4 =	rddreg [dreg:$0x0]  }
0x1f: {  	s5 =	simm.s32 @!p0 $0x800000;
	s3 =	sadd.s32 @!p0 s4, s3;
	s4 =	simm.s32 @!p0 $0x2000  }
0x20: {  	[tilespmem:s1], [sflag:s2] =	stream.strided.gather @!p0 [hbm4b:s3+s4], $0x8000, s5, s4, $0x38;
	[tilespmem:$0x14000] =	vst v63  }
0x21: {  	s26 =	sand.u32 $0x40, s16;
	s14 =	sand.u32 $0x1C00, s22;
	_ =	swait.ge [sflag:s11], $0x2000  }
0x22: {  	s13 =	sshrl.u32 s0, $0x2;
	s0 =	sor.u32 $0x4000, s0;
	[sflag:s11] =	ssyncset.done $0x0  }
0x23: {  	s12 =	sadd.s32 $0x2, s10;
	[dreg:$0xd] =	wrdreg s10;
	[sflag:s11] =	ssyncadd.s32 $0xFFFFE000  }
0x24: {  	s15 =	sor.u32 $0x30, s26;
	s17 =	sadd.s32 s14, s0;
	_ =	swait.ge [sflag:s12], $0x8000  }
0x25: {  	s3 =	sadd.s32 s14, s13;
	[dreg:$0x5] =	wrdreg s13;
	[sflag:s12] =	ssyncset.done $0x0  }
0x26: {  	s14 =	sadd.s32 s15, s3;
	[dreg:$0x4] =	wrdreg s0;
	[sflag:s12] =	ssyncadd.s32 $0xFFFF8000  }
0x27: {  	s25 =	sadd.s32 s15, s17;
	s0 =	sadd.s32 $0x2000, s17;
	v0 =	vld [tilespmem:s14+$0x0]  }
0x28: {  	s10 =	sadd.s32 $0x4000, s17;
	s24 =	sadd.s32 s15, s0;
	v1 =	vld [tilespmem:s25+$0x0]  }
0x29: {  	s18 =	sadd.s32 $0x6000, s17;
	s20 =	sadd.s32 s15, s10;
	v2 =	vld [tilespmem:s24+$0x0]  }
0x2a: {  	s6 =	sadd.s32 s15, s18;
	v3 =	vld [tilespmem:s20+$0x0]  }
0x2b: {  	v4 =	vld [tilespmem:s6+$0x0];
	_ =	sdelay $0x1  }
0x2c: {  	v1 =	vadd.f32 v1, v0  }
0x2d: {  	s19 =	sor.u32 $0x10, s26;
	v2 =	vadd.f32 v2, v0  }
0x2e: {  	s15 =	sadd.s32 s19, s3;
	[tilespmem:s25+$0x0] =	vst v1;
	v1 =	vadd.f32 v3, v0  }
0x2f: {  	s21 =	sadd.s32 s19, s17;
	v3 =	vld [tilespmem:s15+$0x0];
	v0 =	vadd.f32 v4, v0;
	[tilespmem:s24+$0x0] =	vst v2  }
0x30: {  	s9 =	sadd.s32 s19, s0;
	v2 =	vld [tilespmem:s21+$0x0];
	[tilespmem:s20+$0x0] =	vst v1  }
0x31: {  	v1 =	vld [tilespmem:s9+$0x0];
	[tilespmem:s6+$0x0] =	vst v0  }
0x32: {  	v0 =	vld [tilespmem:s25+$0x80]  }
0x33: {  	v4 =	vld [tilespmem:s14+$0x80]  }
0x34: {  	v5 =	vld [tilespmem:s24+$0x80]  }
0x35: {  	v6 =	vld [tilespmem:s20+$0x80]  }
0x36: {  	v7 =	vld [tilespmem:s6+$0x80];
	v2 =	vadd.f32 v2, v3  }
0x37: {  	s29 =	sadd.s32 s26, s0;
	v1 =	vadd.f32 v1, v3  }
0x38: {  	s11 =	sor.u32 $0x20, s26;
	s13 =	sadd.s32 s19, s10;
	v8 =	vld [tilespmem:s29+$0x0];
	[tilespmem:s21+$0x0] =	vst v2;
	v0 =	vadd.f32 v0, v4  }
0x39: {  	s12 =	sadd.s32 s11, s17;
	v2 =	vld [tilespmem:s13+$0x0];
	[tilespmem:s9+$0x0] =	vst v1;
	v1 =	vadd.f32 v5, v4  }
0x3a: {  	s1 =	sadd.s32 s11, s0;
	v12 =	vld [tilespmem:s12+$0x0];
	[tilespmem:s25+$0x80] =	vst v0;
	v0 =	vadd.f32 v6, v4  }
0x3b: {  	s0 =	sadd.s32 s11, s10;
	v13 =	vld [tilespmem:s1+$0x0];
	[tilespmem:s24+$0x80] =	vst v1;
	v1 =	vadd.f32 v7, v4  }
0x3c: {  	s31 =	sadd.s32 s19, s18;
	v14 =	vld [tilespmem:s0+$0x0];
	[tilespmem:s20+$0x80] =	vst v0  }
0x3d: {  	v4 =	vld [tilespmem:s31+$0x0];
	[tilespmem:s6+$0x80] =	vst v1  }
0x3e: {  	v1 =	vld [tilespmem:s25+$0x100]  }
0x3f: {  	v7 =	vld [tilespmem:s14+$0x100]  }
0x40: {  	v9 =	vld [tilespmem:s24+$0x100]  }
0x41: {  	v10 =	vld [tilespmem:s20+$0x100]  }
0x42: {  	s28 =	sadd.s32 s26, s10;
	v11 =	vld [tilespmem:s6+$0x100]  }
0x43: {  	s23 =	sadd.s32 s11, s3;
	v5 =	vld [tilespmem:s28+$0x0];
	v2 =	vadd.f32 v2, v3  }
0x44: {  	s30 =	sadd.s32 s26, s18;
	v0 =	vld [tilespmem:s23+$0x0];
	v1 =	vadd.f32 v1, v7  }
0x45: {  	s3 =	sadd.s32 s26, s3;
	v6 =	vld [tilespmem:s30+$0x0];
	[tilespmem:s13+$0x0] =	vst v2;
	v2 =	vadd.f32 v9, v7  }
0x46: {  	v9 =	vld [tilespmem:s3+$0x0];
	[tilespmem:s25+$0x100] =	vst v1;
	v1 =	vadd.f32 v10, v7  }
0x47: {  	s26 =	sadd.s32 s26, s17;
	v3 =	vadd.f32 v4, v3;
	v4 =	vld [tilespmem:s29+$0x80];
	[tilespmem:s24+$0x100] =	vst v2;
	v2 =	vadd.f32 v11, v7  }
0x48: {  	v10 =	vld [tilespmem:s26+$0x0];
	[tilespmem:s20+$0x100] =	vst v1  }
0x49: {  	v7 =	vld [tilespmem:s28+$0x80];
	v1 =	vadd.f32 v12, v0;
	[tilespmem:s6+$0x100] =	vst v2  }
0x4a: {  	[tilespmem:s31+$0x0] =	vst v3;
	v2 =	vadd.f32 v13, v0;
	v3 =	vld [tilespmem:s25+$0x180]  }
0x4b: {  	[tilespmem:s12+$0x0] =	vst v1;
	v1 =	vadd.f32 v8, v9;
	v8 =	vld [tilespmem:s14+$0x180]  }
0x4c: {  	[tilespmem:s1+$0x0] =	vst v2;
	v2 =	vadd.f32 v5, v9;
	v5 =	vld [tilespmem:s24+$0x180]  }
0x4d: {  	v6 =	vadd.f32 v6, v9;
	[tilespmem:s29+$0x0] =	vst v1;
	v1 =	vld [tilespmem:s20+$0x180]  }
0x4e: {  	s5 =	sadd.s32 s11, s18;
	v9 =	vadd.f32 v10, v9;
	[tilespmem:s28+$0x0] =	vst v2;
	v2 =	vld [tilespmem:s6+$0x180]  }
0x4f: {  	v10 =	vld [tilespmem:s5+$0x0];
	[tilespmem:s30+$0x0] =	vst v6  }
0x50: {  	v6 =	vld [tilespmem:s15+$0x80];
	[tilespmem:s26+$0x0] =	vst v9;
	v3 =	vadd.f32 v3, v8  }
0x51: {  	v9 =	vld [tilespmem:s3+$0x80];
	v5 =	vadd.f32 v5, v8  }
0x52: {  	v11 =	vld [tilespmem:s30+$0x80];
	[tilespmem:s25+$0x180] =	vst v3;
	v1 =	vadd.f32 v1, v8  }
0x53: {  	v3 =	vld [tilespmem:s21+$0x80];
	[tilespmem:s24+$0x180] =	vst v5;
	v2 =	vadd.f32 v2, v8  }
0x54: {  	v5 =	vld [tilespmem:s9+$0x80];
	[tilespmem:s20+$0x180] =	vst v1  }
0x55: {  	v1 =	vld [tilespmem:s13+$0x80];
	[tilespmem:s6+$0x180] =	vst v2  }
0x56: {  	v2 =	vadd.f32 v14, v0;
	v8 =	vld [tilespmem:s25+$0x200]  }
0x57: {  	v0 =	vadd.f32 v10, v0;
	v10 =	vld [tilespmem:s14+$0x200]  }
0x58: {  	[tilespmem:s0+$0x0] =	vst v2;
	v2 =	vadd.f32 v4, v9;
	v4 =	vld [tilespmem:s24+$0x200]  }
0x59: {  	[tilespmem:s5+$0x0] =	vst v0;
	v0 =	vadd.f32 v3, v6;
	v3 =	vld [tilespmem:s20+$0x200]  }
0x5a: {  	v7 =	vadd.f32 v7, v9;
	[tilespmem:s29+$0x80] =	vst v2;
	v2 =	vld [tilespmem:s6+$0x200]  }
0x5b: {  	v11 =	vadd.f32 v11, v9;
	v48 =	vld [tilespmem:s23+$0x80];
	[tilespmem:s21+$0x80] =	vst v0  }
0x5c: {  	[tilespmem:s28+$0x80] =	vst v7;
	v0 =	vld [tilespmem:s31+$0x80];
	v7 =	vadd.f32 v8, v10  }
0x5d: {  	[tilespmem:s30+$0x80] =	vst v11;
	v8 =	vld [tilespmem:s12+$0x80];
	v4 =	vadd.f32 v4, v10  }
0x5e: {  	v11 =	vld [tilespmem:s1+$0x80];
	[tilespmem:s25+$0x200] =	vst v7;
	v3 =	vadd.f32 v3, v10  }
0x5f: {  	v7 =	vld [tilespmem:s0+$0x80];
	[tilespmem:s24+$0x200] =	vst v4;
	v2 =	vadd.f32 v2, v10  }
0x60: {  	v4 =	vadd.f32 v5, v6;
	v5 =	vld [tilespmem:s5+$0x80];
	[tilespmem:s20+$0x200] =	vst v3  }
0x61: {  	v3 =	vld [tilespmem:s26+$0x80];
	[tilespmem:s6+$0x200] =	vst v2  }
0x62: {  	v1 =	vadd.f32 v1, v6;
	v2 =	vld [tilespmem:s25+$0x280]  }
0x63: {  	[tilespmem:s9+$0x80] =	vst v4;
	v0 =	vadd.f32 v0, v6;
	v4 =	vld [tilespmem:s14+$0x280]  }
0x64: {  	[tilespmem:s13+$0x80] =	vst v1;
	v1 =	vadd.f32 v8, v48;
	v6 =	vld [tilespmem:s24+$0x280]  }
0x65: {  	[tilespmem:s31+$0x80] =	vst v0;
	v0 =	vadd.f32 v11, v48;
	v49 =	vld [tilespmem:s31+$0x100]  }
0x66: {  	[tilespmem:s12+$0x80] =	vst v1;
	v1 =	vadd.f32 v7, v48;
	v7 =	vld [tilespmem:s20+$0x280]  }
0x67: {  	v8 =	vld [tilespmem:s15+$0x100];
	[tilespmem:s1+$0x80] =	vst v0;
	v0 =	vadd.f32 v5, v48  }
0x68: {  	v5 =	vld [tilespmem:s6+$0x280];
	v3 =	vadd.f32 v3, v9;
	[tilespmem:s0+$0x80] =	vst v1  }
0x69: {  	v10 =	vld [tilespmem:s9+$0x100];
	[tilespmem:s5+$0x80] =	vst v0  }
0x6a: {  	v11 =	vld [tilespmem:s13+$0x100];
	v0 =	vadd.f32 v2, v4;
	[tilespmem:s26+$0x80] =	vst v3  }
0x6b: {  	v1 =	vadd.f32 v6, v4;
	v6 =	vld [tilespmem:s3+$0x100]  }
0x6c: {  	v2 =	vld [tilespmem:s29+$0x100];
	[tilespmem:s25+$0x280] =	vst v0  }
0x6d: {  	v0 =	vadd.f32 v7, v4;
	[tilespmem:s24+$0x280] =	vst v1;
	v1 =	vadd.f32 v5, v4;
	v4 =	vld [tilespmem:s28+$0x100]  }
0x6e: {  	v5 =	vld [tilespmem:s30+$0x100]  }
0x6f: {  	v9 =	vld [tilespmem:s21+$0x100];
	[tilespmem:s20+$0x280] =	vst v0  }
0x70: {  	v3 =	vld [tilespmem:s23+$0x100];
	[tilespmem:s6+$0x280] =	vst v1  }
0x71: {  	v7 =	vld [tilespmem:s25+$0x300];
	v2 =	vadd.f32 v2, v6  }
0x72: {  	v0 =	vld [tilespmem:s14+$0x300];
	v4 =	vadd.f32 v4, v6  }
0x73: {  	v1 =	vld [tilespmem:s24+$0x300];
	[tilespmem:s29+$0x100] =	vst v2;
	v5 =	vadd.f32 v5, v6  }
0x74: {  	v2 =	vld [tilespmem:s20+$0x300];
	[tilespmem:s28+$0x100] =	vst v4;
	v4 =	vadd.f32 v9, v8  }
0x75: {  	v9 =	vadd.f32 v10, v8;
	[tilespmem:s30+$0x100] =	vst v5;
	v5 =	vld [tilespmem:s12+$0x100]  }
0x76: {  	v10 =	vld [tilespmem:s1+$0x100];
	[tilespmem:s21+$0x100] =	vst v4  }
0x77: {  	v4 =	vadd.f32 v11, v8;
	[tilespmem:s9+$0x100] =	vst v9;
	v9 =	vld [tilespmem:s26+$0x100]  }
0x78: {  	v8 =	vadd.f32 v49, v8;
	v11 =	vld [tilespmem:s0+$0x100]  }
0x79: {  	[tilespmem:s13+$0x100] =	vst v4;
	v4 =	vld [tilespmem:s5+$0x100]  }
0x7a: {  	v50 =	vld [tilespmem:s29+$0x180];
	[tilespmem:s31+$0x100] =	vst v8;
	v5 =	vadd.f32 v5, v3  }
0x7b: {  	v10 =	vadd.f32 v10, v3;
	v8 =	vld [tilespmem:s15+$0x180]  }
0x7c: {  	[tilespmem:s12+$0x100] =	vst v5;
	v5 =	vld [tilespmem:s28+$0x180];
	v6 =	vadd.f32 v9, v6  }
0x7d: {  	v9 =	vadd.f32 v11, v3;
	[tilespmem:s1+$0x100] =	vst v10;
	v10 =	vld [tilespmem:s30+$0x180]  }
0x7e: {  	v3 =	vadd.f32 v4, v3;
	v4 =	vld [tilespmem:s21+$0x180];
	[tilespmem:s26+$0x100] =	vst v6  }
0x7f: {  	[tilespmem:s0+$0x100] =	vst v9;
	v9 =	vld [tilespmem:s9+$0x180]  }
0x80: {  	v6 =	vld [tilespmem:s3+$0x180]  }
0x81: {  	v51 =	vld [tilespmem:s31+$0x180]  }
0x82: {  	v11 =	vld [tilespmem:s13+$0x180]  }
0x83: {  	[tilespmem:s5+$0x100] =	vst v3;
	v54 =	vld [tilespmem:s5+$0x180];
	v4 =	vadd.f32 v4, v8  }
0x84: {  	v3 =	vld [tilespmem:s23+$0x180];
	v9 =	vadd.f32 v9, v8  }
0x85: {  	v52 =	vld [tilespmem:s12+$0x180];
	v12 =	vadd.f32 v50, v6;
	[tilespmem:s21+$0x180] =	vst v4  }
0x86: {  	v4 =	vadd.f32 v5, v6;
	v5 =	vld [tilespmem:s26+$0x180];
	[tilespmem:s9+$0x180] =	vst v9  }
0x87: {  	v53 =	vld [tilespmem:s1+$0x180];
	v9 =	vadd.f32 v11, v8;
	[tilespmem:s29+$0x180] =	vst v12  }
0x88: {  	v10 =	vadd.f32 v10, v6;
	[tilespmem:s28+$0x180] =	vst v4;
	v4 =	vld [tilespmem:s0+$0x180]  }
0x89: {  	v8 =	vadd.f32 v51, v8;
	[tilespmem:s13+$0x180] =	vst v9;
	v11 =	vld [tilespmem:s29+$0x200]  }
0x8a: {  	[tilespmem:s30+$0x180] =	vst v10;
	v9 =	vld [tilespmem:s30+$0x200]  }
0x8b: {  	[tilespmem:s31+$0x180] =	vst v8;
	v10 =	vld [tilespmem:s28+$0x200];
	v5 =	vadd.f32 v5, v6  }
0x8c: {  	v6 =	vadd.f32 v52, v3;
	v8 =	vld [tilespmem:s21+$0x200]  }
0x8d: {  	v55 =	vld [tilespmem:s15+$0x200];
	[tilespmem:s26+$0x180] =	vst v5  }
0x8e: {  	v12 =	vadd.f32 v53, v3;
	[tilespmem:s12+$0x180] =	vst v6;
	v6 =	vld [tilespmem:s9+$0x200]  }
0x8f: {  	v4 =	vadd.f32 v4, v3;
	v5 =	vld [tilespmem:s3+$0x200]  }
0x90: {  	v56 =	vld [tilespmem:s13+$0x200];
	v3 =	vadd.f32 v54, v3;
	[tilespmem:s1+$0x180] =	vst v12  }
0x91: {  	[tilespmem:s0+$0x180] =	vst v4;
	v4 =	vld [tilespmem:s31+$0x200]  }
0x92: {  	[tilespmem:s5+$0x180] =	vst v3;
	v3 =	vadd.f32 v8, v55;
	v58 =	vld [tilespmem:s5+$0x200]  }
0x93: {  	v8 =	vld [tilespmem:s23+$0x200];
	v6 =	vadd.f32 v6, v55  }
0x94: {  	v57 =	vld [tilespmem:s12+$0x200];
	v11 =	vadd.f32 v11, v5;
	[tilespmem:s21+$0x200] =	vst v3  }
0x95: {  	v3 =	vadd.f32 v10, v5;
	v10 =	vld [tilespmem:s26+$0x200];
	[tilespmem:s9+$0x200] =	vst v6  }
0x96: {  	v12 =	vadd.f32 v56, v55;
	[tilespmem:s29+$0x200] =	vst v11;
	v11 =	vld [tilespmem:s1+$0x200]  }
0x97: {  	v9 =	vadd.f32 v9, v5;
	[tilespmem:s28+$0x200] =	vst v3;
	v3 =	vld [tilespmem:s0+$0x200]  }
0x98: {  	v4 =	vadd.f32 v4, v55;
	[tilespmem:s13+$0x200] =	vst v12;
	v6 =	vld [tilespmem:s29+$0x280]  }
0x99: {  	[tilespmem:s30+$0x200] =	vst v9;
	v59 =	vld [tilespmem:s30+$0x280]  }
0x9a: {  	[tilespmem:s31+$0x200] =	vst v4;
	v9 =	vld [tilespmem:s28+$0x280]  }
0x9b: {  	v4 =	vadd.f32 v57, v8;
	v60 =	vld [tilespmem:s15+$0x280]  }
0x9c: {  	v5 =	vadd.f32 v10, v5;
	v10 =	vld [tilespmem:s21+$0x280]  }
0x9d: {  	[tilespmem:s12+$0x200] =	vst v4;
	v4 =	vld [tilespmem:s9+$0x280];
	v11 =	vadd.f32 v11, v8  }
0x9e: {  	[tilespmem:s26+$0x200] =	vst v5;
	v5 =	vld [tilespmem:s13+$0x280];
	v3 =	vadd.f32 v3, v8  }
0x9f: {  	v8 =	vadd.f32 v58, v8;
	[tilespmem:s1+$0x200] =	vst v11;
	v11 =	vld [tilespmem:s3+$0x280]  }
0xa0: {  	v7 =	vadd.f32 v7, v0;
	[tilespmem:s0+$0x200] =	vst v3;
	v3 =	vld [tilespmem:s6+$0x300]  }
0xa1: {  	[tilespmem:s5+$0x200] =	vst v8;
	v8 =	vadd.f32 v10, v60;
	v10 =	vld [tilespmem:s31+$0x280]  }
0xa2: {  	[tilespmem:s25+$0x300] =	vst v7;
	v4 =	vadd.f32 v4, v60;
	v61 =	vld [tilespmem:s5+$0x280]  }
0xa3: {  	v7 =	vld [tilespmem:s23+$0x280];
	v5 =	vadd.f32 v5, v60;
	[tilespmem:s21+$0x280] =	vst v8  }
0xa4: {  	v8 =	vld [tilespmem:s12+$0x280];
	[tilespmem:s9+$0x280] =	vst v4;
	v6 =	vadd.f32 v6, v11  }
0xa5: {  	v4 =	vld [tilespmem:s1+$0x280];
	v9 =	vadd.f32 v9, v11;
	[tilespmem:s13+$0x280] =	vst v5  }
0xa6: {  	v5 =	vld [tilespmem:s26+$0x280];
	[tilespmem:s29+$0x280] =	vst v6;
	v10 =	vadd.f32 v10, v60  }
0xa7: {  	v1 =	vadd.f32 v1, v0;
	v6 =	vld [tilespmem:s0+$0x280];
	[tilespmem:s28+$0x280] =	vst v9  }
0xa8: {  	v2 =	vadd.f32 v2, v0;
	v9 =	vld [tilespmem:s29+$0x300];
	[tilespmem:s31+$0x280] =	vst v10  }
0xa9: {  	[tilespmem:s24+$0x300] =	vst v1;
	v0 =	vadd.f32 v3, v0;
	v1 =	vld [tilespmem:s15+$0x300]  }
0xaa: {  	[tilespmem:s20+$0x300] =	vst v2;
	v2 =	vadd.f32 v59, v11;
	v3 =	vld [tilespmem:s21+$0x300]  }
0xab: {  	[tilespmem:s6+$0x300] =	vst v0;
	v0 =	vadd.f32 v8, v7;
	v8 =	vld [tilespmem:s9+$0x300]  }
0xac: {  	[tilespmem:s30+$0x280] =	vst v2;
	v2 =	vadd.f32 v4, v7;
	v4 =	vld [tilespmem:s13+$0x300]  }
0xad: {  	[tilespmem:s12+$0x280] =	vst v0;
	v0 =	vld [tilespmem:s31+$0x300];
	v5 =	vadd.f32 v5, v11  }
0xae: {  	v10 =	vld [tilespmem:s28+$0x300];
	v6 =	vadd.f32 v6, v7;
	[tilespmem:s1+$0x280] =	vst v2  }
0xaf: {  	v11 =	vld [tilespmem:s30+$0x300];
	[tilespmem:s26+$0x280] =	vst v5;
	v2 =	vadd.f32 v3, v1  }
0xb0: {  	[tilespmem:s0+$0x280] =	vst v6;
	v3 =	vadd.f32 v8, v1  }
0xb1: {  	[tilespmem:s21+$0x300] =	vst v2;
	v2 =	vadd.f32 v4, v1  }
0xb2: {  	v8 =	vld [tilespmem:s26+$0x300];
	v1 =	vadd.f32 v0, v1;
	[tilespmem:s9+$0x300] =	vst v3  }
0xb3: {  	v4 =	vld [tilespmem:s3+$0x300];
	v3 =	vadd.f32 v61, v7;
	[tilespmem:s13+$0x300] =	vst v2  }
0xb4: {  	v0 =	vld [tilespmem:s14+$0x380];
	[tilespmem:s31+$0x300] =	vst v1  }
0xb5: {  	[tilespmem:s5+$0x280] =	vst v3;
	v2 =	vld [tilespmem:s15+$0x380]  }
0xb6: {  	v1 =	vld [tilespmem:s23+$0x300]  }
0xb7: {  	v3 =	vld [tilespmem:s12+$0x300]  }
0xb8: {  	v5 =	vld [tilespmem:s1+$0x300];
	v6 =	vadd.f32 v9, v4  }
0xb9: {  	v7 =	vadd.f32 v10, v4;
	v9 =	vld [tilespmem:s0+$0x300]  }
0xba: {  	v10 =	vld [tilespmem:s5+$0x300];
	[tilespmem:s29+$0x300] =	vst v6  }
0xbb: {  	v6 =	vadd.f32 v11, v4;
	[tilespmem:s28+$0x300] =	vst v7;
	v7 =	vld [tilespmem:s6+$0x380]  }
0xbc: {  	v11 =	vld [tilespmem:s29+$0x380];
	v3 =	vadd.f32 v3, v1  }
0xbd: {  	[tilespmem:s30+$0x300] =	vst v6;
	v5 =	vadd.f32 v5, v1;
	v63 =	vld [tilespmem:s30+$0x380]  }
0xbe: {  	v62 =	vld [tilespmem:s28+$0x380];
	v6 =	vadd.f32 v9, v1;
	[tilespmem:s12+$0x300] =	vst v3  }
0xbf: {  	v3 =	vadd.f32 v8, v4;
	v4 =	vld [tilespmem:s21+$0x380];
	[tilespmem:s1+$0x300] =	vst v5  }
0xc0: {  	v9 =	vld [tilespmem:s9+$0x380];
	[tilespmem:s0+$0x300] =	vst v6  }
0xc1: {  	v5 =	vadd.f32 v10, v1;
	[tilespmem:s26+$0x300] =	vst v3;
	v6 =	vld [tilespmem:s13+$0x380]  }
0xc2: {  	v1 =	vld [tilespmem:s3+$0x380]  }
0xc3: {  	v8 =	vld [tilespmem:s31+$0x380];
	[tilespmem:s5+$0x300] =	vst v5;
	v5 =	vadd.f32 v7, v0  }
0xc4: {  	v3 =	vld [tilespmem:s23+$0x380];
	v4 =	vadd.f32 v4, v2  }
0xc5: {  	v7 =	vld [tilespmem:s12+$0x380];
	[tilespmem:s6+$0x380] =	vst v5;
	v5 =	vadd.f32 v9, v2  }
0xc6: {  	[tilespmem:s21+$0x380] =	vst v4;
	v4 =	vadd.f32 v6, v2;
	v6 =	vld [tilespmem:s1+$0x380]  }
0xc7: {  	[tilespmem:s9+$0x380] =	vst v5;
	v11 =	vadd.f32 v11, v1;
	v5 =	vld [tilespmem:s0+$0x380]  }
0xc8: {  	v10 =	vadd.f32 v62, v1;
	v9 =	vadd.f32 v63, v1;
	[tilespmem:s13+$0x380] =	vst v4;
	v4 =	vld [tilespmem:s5+$0x380]  }
.LBB2_3:
0xc9: {  	_ = 	snop  }
0xca: {  	s14 =	sadd.s32 $0x40, s16;
	s22 =	sadd.s32 $0x200, s22;
	[tilespmem:s28+$0x380] =	vst v10;
	v10 =	vld [tilespmem:s24+$0x380]  }
0xcb: {  	s3 =	rddreg [dreg:$0x5];
	s4 =	sand.u32 $0x40, s14;
	s2 =	sand.u32 $0x1C00, s22;
	[tilespmem:s30+$0x380] =	vst v9;
	v9 =	vld [tilespmem:s20+$0x380]  }
0xcc: {  	s6 =	rddreg [dreg:$0x4];
	[tilespmem:s29+$0x380] =	vst v11;
	v11 =	vld [tilespmem:s26+$0x380];
	s10 =	sadd.s32 s2, s3;
	s9 =	sor.u32 $0x30, s4;
	v2 =	vadd.f32 v8, v2  }
0xcd: {  	s8 =	sadd.s32 s2, s6;
	s2 =	sadd.s32 s9, s10;
	v8 =	vld [tilespmem:s25+$0x380]  }
0xce: {  	s15 =	sadd.s32 $0x2000, s8;
	s18 =	sadd.s32 s9, s8;
	v7 =	vadd.f32 v7, v3;
	[tilespmem:s31+$0x380] =	vst v2;
	v2 =	vadd.f32 v5, v3;
	v5 =	vld [tilespmem:s2+$0x0]  }
0xcf: {  	s17 =	sor.u32 $0x20, s4;
	v6 =	vadd.f32 v6, v3;
	s19 =	sadd.s32 s9, s15;
	v3 =	vadd.f32 v4, v3;
	v4 =	vld [tilespmem:s18+$0x0]  }
0xd0: {  	s23 =	sadd.s32 $0x6000, s8;
	[tilespmem:s12+$0x380] =	vst v7;
	v7 =	vld [tilespmem:s19+$0x0];
	s12 =	sadd.s32 s17, s8  }
0xd1: {  	s3 =	sadd.s32 s9, s23;
	[tilespmem:s1+$0x380] =	vst v6;
	v1 =	vadd.f32 v11, v1;
	v12 =	vld [tilespmem:s12+$0x0]  }
0xd2: {  	s16 =	sadd.s32 $0x4000, s8;
	s30 =	sadd.s32 s4, s23;
	[tilespmem:s5+$0x380] =	vst v3;
	v3 =	vld [tilespmem:s3+$0x0]  }
0xd3: {  	s11 =	sor.u32 $0x10, s4;
	s21 =	sadd.s32 s9, s16;
	[tilespmem:s26+$0x380] =	vst v1;
	v1 =	vld [tilespmem:s30+$0x0]  }
0xd4: {  	s13 =	sadd.s32 s11, s10;
	s7 =	sadd.s32 s11, s8;
	s9 =	sadd.s32 s11, s15;
	[tilespmem:s0+$0x380] =	vst v2;
	v2 =	vadd.f32 v10, v0;
	v6 =	vadd.f32 v8, v0;
	v8 =	vld [tilespmem:s21+$0x0]  }
0xd5: {  	s6 =	sadd.s32 s11, s16;
	s31 =	sadd.s32 s11, s23;
	s11 =	sadd.s32 s17, s10;
	v10 =	vld [tilespmem:s3+$0x80]  }
0xd6: {  	s5 =	sadd.s32 s17, s23;
	v0 =	vadd.f32 v9, v0;
	v11 =	vld [tilespmem:s11+$0x0];
	[tilespmem:s24+$0x380] =	vst v2  }
0xd7: {  	v60 =	vld [tilespmem:s5+$0x180];
	[tilespmem:s25+$0x380] =	vst v6;
	v4 =	vadd.f32 v4, v5  }
0xd8: {  	v7 =	vadd.f32 v7, v5;
	[tilespmem:s20+$0x380] =	vst v0;
	s25 =	smov.u32 s18;
	v0 =	vld [tilespmem:s13+$0x0]  }
0xd9: {  	s24 =	smov.u32 s19;
	[tilespmem:s25+$0x0] =	vst v4;
	v3 =	vadd.f32 v3, v5;
	v4 =	vadd.f32 v8, v5;
	v8 =	vld [tilespmem:s7+$0x0]  }
0xda: {  	s26 =	sadd.s32 s4, s8;
	[tilespmem:s24+$0x0] =	vst v7;
	v5 =	vld [tilespmem:s9+$0x0]  }
0xdb: {  	v13 =	vld [tilespmem:s26+$0x180];
	s20 =	smov.u32 s21;
	[tilespmem:s3+$0x0] =	vst v3  }
0xdc: {  	v3 =	vld [tilespmem:s25+$0x80];
	[tilespmem:s20+$0x0] =	vst v4  }
0xdd: {  	v4 =	vld [tilespmem:s2+$0x80]  }
0xde: {  	v7 =	vld [tilespmem:s24+$0x80];
	v8 =	vadd.f32 v8, v0  }
0xdf: {  	v9 =	vld [tilespmem:s20+$0x80];
	v5 =	vadd.f32 v5, v0  }
0xe0: {  	[tilespmem:s7+$0x0] =	vst v8;
	v8 =	vld [tilespmem:s6+$0x0]  }
0xe1: {  	s28 =	sadd.s32 s4, s16;
	[tilespmem:s9+$0x0] =	vst v5;
	v5 =	vld [tilespmem:s31+$0x0]  }
0xe2: {  	s29 =	sadd.s32 s4, s15;
	v2 =	vld [tilespmem:s28+$0x0];
	v3 =	vadd.f32 v3, v4  }
0xe3: {  	s1 =	sadd.s32 s17, s15;
	v6 =	vld [tilespmem:s29+$0x0];
	v7 =	vadd.f32 v7, v4  }
0xe4: {  	s10 =	sadd.s32 s4, s10;
	[tilespmem:s25+$0x80] =	vst v3;
	v3 =	vadd.f32 v9, v4;
	v9 =	vld [tilespmem:s1+$0x0]  }
0xe5: {  	s0 =	sadd.s32 s17, s16;
	[tilespmem:s24+$0x80] =	vst v7;
	v4 =	vadd.f32 v10, v4;
	v10 =	vld [tilespmem:s10+$0x0]  }
0xe6: {  	v7 =	vadd.f32 v8, v0;
	v8 =	vld [tilespmem:s0+$0x0];
	[tilespmem:s20+$0x80] =	vst v3;
	v0 =	vadd.f32 v5, v0  }
0xe7: {  	[tilespmem:s3+$0x80] =	vst v4;
	v3 =	vld [tilespmem:s25+$0x100]  }
0xe8: {  	v4 =	vld [tilespmem:s2+$0x100];
	[tilespmem:s31+$0x0] =	vst v0;
	v0 =	vadd.f32 v12, v11  }
0xe9: {  	v5 =	vld [tilespmem:s24+$0x100];
	[tilespmem:s6+$0x0] =	vst v7;
	v7 =	vadd.f32 v9, v11  }
0xea: {  	v9 =	vld [tilespmem:s20+$0x100];
	v2 =	vadd.f32 v2, v10;
	[tilespmem:s12+$0x0] =	vst v0  }
0xeb: {  	v0 =	vadd.f32 v8, v11;
	v8 =	vld [tilespmem:s3+$0x100];
	[tilespmem:s1+$0x0] =	vst v7  }
0xec: {  	v59 =	vld [tilespmem:s13+$0x80];
	v1 =	vadd.f32 v1, v10;
	[tilespmem:s28+$0x0] =	vst v2  }
0xed: {  	v7 =	vld [tilespmem:s5+$0x0];
	[tilespmem:s0+$0x0] =	vst v0;
	v0 =	vadd.f32 v3, v4  }
0xee: {  	v2 =	vld [tilespmem:s20+$0x180];
	[tilespmem:s30+$0x0] =	vst v1;
	v5 =	vadd.f32 v5, v4  }
0xef: {  	v1 =	vld [tilespmem:s3+$0x180];
	[tilespmem:s25+$0x100] =	vst v0;
	v0 =	vadd.f32 v9, v4  }
0xf0: {  	v3 =	vld [tilespmem:s26+$0x0];
	[tilespmem:s24+$0x100] =	vst v5;
	v4 =	vadd.f32 v8, v4  }
0xf1: {  	v5 =	vld [tilespmem:s28+$0x80];
	[tilespmem:s20+$0x100] =	vst v0  }
0xf2: {  	v0 =	vadd.f32 v6, v10;
	[tilespmem:s3+$0x100] =	vst v4;
	v4 =	vld [tilespmem:s25+$0x180]  }
0xf3: {  	v6 =	vld [tilespmem:s2+$0x180]  }
0xf4: {  	[tilespmem:s29+$0x0] =	vst v0;
	v0 =	vld [tilespmem:s24+$0x180]  }
0xf5: {  	v9 =	vld [tilespmem:s29+$0x80];
	v3 =	vadd.f32 v3, v10  }
0xf6: {  	v7 =	vadd.f32 v7, v11;
	v8 =	vld [tilespmem:s30+$0x80]  }
0xf7: {  	v11 =	vld [tilespmem:s31+$0x100];
	[tilespmem:s26+$0x0] =	vst v3  }
0xf8: {  	[tilespmem:s5+$0x0] =	vst v7;
	v7 =	vld [tilespmem:s10+$0x80];
	v4 =	vadd.f32 v4, v6  }
0xf9: {  	v10 =	vld [tilespmem:s7+$0x80];
	v0 =	vadd.f32 v0, v6  }
0xfa: {  	v3 =	vld [tilespmem:s11+$0x80];
	v2 =	vadd.f32 v2, v6;
	[tilespmem:s25+$0x180] =	vst v4  }
0xfb: {  	v4 =	vld [tilespmem:s9+$0x80];
	[tilespmem:s24+$0x180] =	vst v0;
	v0 =	vadd.f32 v1, v6  }
0xfc: {  	v1 =	vld [tilespmem:s6+$0x80];
	[tilespmem:s20+$0x180] =	vst v2  }
0xfd: {  	v2 =	vadd.f32 v9, v7;
	[tilespmem:s3+$0x180] =	vst v0;
	v0 =	vld [tilespmem:s25+$0x200]  }
0xfe: {  	v6 =	vadd.f32 v8, v7;
	v8 =	vld [tilespmem:s2+$0x200]  }
0xff: {  	v5 =	vadd.f32 v5, v7;
	v9 =	vld [tilespmem:s24+$0x200];
	[tilespmem:s29+$0x80] =	vst v2  }
0x100: {  	v2 =	vadd.f32 v10, v59;
	[tilespmem:s30+$0x80] =	vst v6;
	v6 =	vld [tilespmem:s3+$0x200]  }
0x101: {  	[tilespmem:s28+$0x80] =	vst v5;
	v5 =	vld [tilespmem:s20+$0x200];
	v4 =	vadd.f32 v4, v59  }
0x102: {  	[tilespmem:s7+$0x80] =	vst v2;
	v2 =	vld [tilespmem:s31+$0x80];
	v1 =	vadd.f32 v1, v59  }
0x103: {  	[tilespmem:s9+$0x80] =	vst v4;
	v4 =	vld [tilespmem:s12+$0x80];
	v0 =	vadd.f32 v0, v8  }
0x104: {  	[tilespmem:s6+$0x80] =	vst v1;
	v1 =	vld [tilespmem:s1+$0x80];
	v9 =	vadd.f32 v9, v8  }
0x105: {  	v10 =	vld [tilespmem:s0+$0x80];
	v6 =	vadd.f32 v6, v8;
	[tilespmem:s25+$0x200] =	vst v0  }
0x106: {  	v0 =	vadd.f32 v5, v8;
	v5 =	vld [tilespmem:s5+$0x80];
	[tilespmem:s24+$0x200] =	vst v9  }
0x107: {  	v2 =	vadd.f32 v2, v59;
	v8 =	vld [tilespmem:s26+$0x80];
	[tilespmem:s3+$0x200] =	vst v6  }
0x108: {  	[tilespmem:s20+$0x200] =	vst v0;
	v0 =	vadd.f32 v4, v3;
	v4 =	vld [tilespmem:s25+$0x280]  }
0x109: {  	[tilespmem:s31+$0x80] =	vst v2;
	v1 =	vadd.f32 v1, v3;
	v2 =	vld [tilespmem:s2+$0x280]  }
0x10a: {  	v6 =	vld [tilespmem:s24+$0x280];
	[tilespmem:s12+$0x80] =	vst v0;
	v0 =	vadd.f32 v10, v3  }
0x10b: {  	[tilespmem:s1+$0x80] =	vst v1;
	v1 =	vadd.f32 v5, v3;
	v3 =	vld [tilespmem:s20+$0x280]  }
0x10c: {  	[tilespmem:s0+$0x80] =	vst v0;
	v0 =	vld [tilespmem:s3+$0x280]  }
0x10d: {  	v9 =	vld [tilespmem:s20+$0x300];
	v5 =	vadd.f32 v8, v7  }
0x10e: {  	v10 =	vld [tilespmem:s6+$0x100];
	v4 =	vadd.f32 v4, v2  }
0x10f: {  	v8 =	vld [tilespmem:s29+$0x100];
	[tilespmem:s26+$0x80] =	vst v5;
	v6 =	vadd.f32 v6, v2  }
0x110: {  	v5 =	vld [tilespmem:s10+$0x100];
	[tilespmem:s25+$0x280] =	vst v4;
	v3 =	vadd.f32 v3, v2  }
0x111: {  	v4 =	vld [tilespmem:s28+$0x100];
	[tilespmem:s24+$0x280] =	vst v6;
	v0 =	vadd.f32 v0, v2  }
0x112: {  	v2 =	vld [tilespmem:s30+$0x100];
	[tilespmem:s20+$0x280] =	vst v3  }
0x113: {  	[tilespmem:s3+$0x280] =	vst v0;
	v0 =	vld [tilespmem:s25+$0x300]  }
0x114: {  	v3 =	vld [tilespmem:s2+$0x300]  }
0x115: {  	v6 =	vadd.f32 v8, v5;
	v8 =	vld [tilespmem:s24+$0x300]  }
0x116: {  	v7 =	vld [tilespmem:s13+$0x100];
	[tilespmem:s5+$0x80] =	vst v1;
	v4 =	vadd.f32 v4, v5  }
0x117: {  	[tilespmem:s29+$0x100] =	vst v6;
	v6 =	vld [tilespmem:s3+$0x300];
	v2 =	vadd.f32 v2, v5  }
0x118: {  	[tilespmem:s28+$0x100] =	vst v4;
	v4 =	vld [tilespmem:s7+$0x100]  }
0x119: {  	[tilespmem:s30+$0x100] =	vst v2;
	v2 =	vld [tilespmem:s9+$0x100];
	v0 =	vadd.f32 v0, v3  }
0x11a: {  	v1 =	vld [tilespmem:s11+$0x100];
	v8 =	vadd.f32 v8, v3  }
0x11b: {  	[tilespmem:s25+$0x300] =	vst v0;
	v0 =	vadd.f32 v9, v3;
	v9 =	vld [tilespmem:s12+$0x100]  }
0x11c: {  	[tilespmem:s24+$0x300] =	vst v8;
	v3 =	vadd.f32 v6, v3;
	v6 =	vld [tilespmem:s1+$0x100]  }
0x11d: {  	v8 =	vld [tilespmem:s5+$0x100];
	v4 =	vadd.f32 v4, v7;
	[tilespmem:s20+$0x300] =	vst v0  }
0x11e: {  	v2 =	vadd.f32 v2, v7;
	[tilespmem:s3+$0x300] =	vst v3;
	v3 =	vld [tilespmem:s3+$0x380]  }
0x11f: {  	[tilespmem:s7+$0x100] =	vst v4;
	v4 =	vadd.f32 v10, v7;
	v0 =	vld [tilespmem:s2+$0x380]  }
0x120: {  	[tilespmem:s9+$0x100] =	vst v2;
	v2 =	vadd.f32 v11, v7;
	v7 =	vld [tilespmem:s0+$0x100]  }
0x121: {  	[tilespmem:s6+$0x100] =	vst v4;
	v4 =	vadd.f32 v9, v1;
	v9 =	vld [tilespmem:s26+$0x100]  }
0x122: {  	v61 =	vld [tilespmem:s26+$0x280];
	[tilespmem:s31+$0x100] =	vst v2;
	v2 =	vadd.f32 v6, v1  }
0x123: {  	v10 =	vld [tilespmem:s30+$0x180]  }
0x124: {  	v6 =	vld [tilespmem:s13+$0x180];
	[tilespmem:s1+$0x100] =	vst v2;
	v2 =	vadd.f32 v3, v0  }
0x125: {  	v3 =	vld [tilespmem:s28+$0x180];
	v7 =	vadd.f32 v7, v1  }
0x126: {  	v1 =	vadd.f32 v8, v1;
	v8 =	vld [tilespmem:s6+$0x180];
	[tilespmem:s3+$0x380] =	vst v2;
	v2 =	vadd.f32 v9, v5  }
0x127: {  	v5 =	vld [tilespmem:s7+$0x180];
	[tilespmem:s0+$0x100] =	vst v7  }
0x128: {  	v7 =	vld [tilespmem:s9+$0x180];
	[tilespmem:s26+$0x100] =	vst v2  }
0x129: {  	v2 =	vld [tilespmem:s10+$0x180]  }
0x12a: {  	[tilespmem:s12+$0x100] =	vst v4;
	v4 =	vld [tilespmem:s29+$0x180]  }
0x12b: {  	v11 =	vld [tilespmem:s12+$0x180];
	v8 =	vadd.f32 v8, v6  }
0x12c: {  	v9 =	vld [tilespmem:s31+$0x180];
	[tilespmem:s5+$0x100] =	vst v1;
	v5 =	vadd.f32 v5, v6  }
0x12d: {  	v1 =	vld [tilespmem:s11+$0x180];
	v7 =	vadd.f32 v7, v6;
	[tilespmem:s6+$0x180] =	vst v8  }
0x12e: {  	[tilespmem:s7+$0x180] =	vst v5;
	v5 =	vld [tilespmem:s1+$0x180];
	v3 =	vadd.f32 v3, v2  }
0x12f: {  	v4 =	vadd.f32 v4, v2;
	[tilespmem:s9+$0x180] =	vst v7;
	v7 =	vld [tilespmem:s0+$0x180]  }
0x130: {  	v10 =	vadd.f32 v10, v2;
	v2 =	vadd.f32 v13, v2;
	[tilespmem:s28+$0x180] =	vst v3;
	v3 =	vld [tilespmem:s29+$0x200]  }
0x131: {  	[tilespmem:s29+$0x180] =	vst v4;
	v4 =	vadd.f32 v9, v6;
	v9 =	vld [tilespmem:s28+$0x200]  }
0x132: {  	[tilespmem:s26+$0x180] =	vst v2;
	v2 =	vld [tilespmem:s6+$0x200]  }
0x133: {  	v6 =	vadd.f32 v11, v1;
	[tilespmem:s31+$0x180] =	vst v4;
	v4 =	vld [tilespmem:s7+$0x200]  }
0x134: {  	[tilespmem:s30+$0x180] =	vst v10;
	v5 =	vadd.f32 v5, v1;
	v8 =	vld [tilespmem:s13+$0x200]  }
0x135: {  	[tilespmem:s12+$0x180] =	vst v6;
	v6 =	vld [tilespmem:s9+$0x200]  }
0x136: {  	v7 =	vadd.f32 v7, v1;
	[tilespmem:s1+$0x180] =	vst v5;
	v5 =	vld [tilespmem:s10+$0x200]  }
0x137: {  	v10 =	vld [tilespmem:s30+$0x200];
	v1 =	vadd.f32 v60, v1  }
0x138: {  	v11 =	vld [tilespmem:s12+$0x200];
	[tilespmem:s0+$0x180] =	vst v7  }
0x139: {  	v7 =	vld [tilespmem:s31+$0x200];
	[tilespmem:s5+$0x180] =	vst v1;
	v1 =	vadd.f32 v4, v8  }
0x13a: {  	v4 =	vld [tilespmem:s11+$0x200];
	v6 =	vadd.f32 v6, v8  }
0x13b: {  	v3 =	vadd.f32 v3, v5;
	[tilespmem:s7+$0x200] =	vst v1;
	v1 =	vadd.f32 v2, v8;
	v2 =	vld [tilespmem:s1+$0x200]  }
0x13c: {  	[tilespmem:s9+$0x200] =	vst v6;
	v6 =	vld [tilespmem:s0+$0x200]  }
0x13d: {  	v9 =	vadd.f32 v9, v5;
	[tilespmem:s29+$0x200] =	vst v3;
	v3 =	vld [tilespmem:s29+$0x280]  }
0x13e: {  	v10 =	vadd.f32 v10, v5;
	[tilespmem:s6+$0x200] =	vst v1;
	v1 =	vadd.f32 v7, v8;
	v7 =	vld [tilespmem:s5+$0x200]  }
0x13f: {  	[tilespmem:s28+$0x200] =	vst v9;
	v8 =	vld [tilespmem:s26+$0x200]  }
0x140: {  	[tilespmem:s30+$0x200] =	vst v10;
	v10 =	vld [tilespmem:s28+$0x280]  }
0x141: {  	v9 =	vadd.f32 v11, v4;
	v11 =	vld [tilespmem:s30+$0x280];
	[tilespmem:s31+$0x200] =	vst v1  }
0x142: {  	v2 =	vadd.f32 v2, v4;
	v1 =	vadd.f32 v6, v4;
	v6 =	vld [tilespmem:s13+$0x280]  }
0x143: {  	[tilespmem:s12+$0x200] =	vst v9;
	v4 =	vadd.f32 v7, v4;
	v7 =	vld [tilespmem:s7+$0x280]  }
0x144: {  	v5 =	vadd.f32 v8, v5;
	[tilespmem:s1+$0x200] =	vst v2;
	v2 =	vld [tilespmem:s9+$0x280]  }
0x145: {  	[tilespmem:s0+$0x200] =	vst v1;
	v1 =	vld [tilespmem:s6+$0x280]  }
0x146: {  	v9 =	vld [tilespmem:s12+$0x280];
	[tilespmem:s26+$0x200] =	vst v5  }
0x147: {  	v5 =	vld [tilespmem:s10+$0x280]  }
0x148: {  	v8 =	vld [tilespmem:s31+$0x280];
	[tilespmem:s5+$0x200] =	vst v4;
	v7 =	vadd.f32 v7, v6  }
0x149: {  	v4 =	vld [tilespmem:s11+$0x280];
	v2 =	vadd.f32 v2, v6  }
0x14a: {  	v1 =	vadd.f32 v1, v6;
	[tilespmem:s7+$0x280] =	vst v7;
	v7 =	vld [tilespmem:s1+$0x280]  }
0x14b: {  	[tilespmem:s9+$0x280] =	vst v2;
	v2 =	vld [tilespmem:s0+$0x280]  }
0x14c: {  	[tilespmem:s6+$0x280] =	vst v1;
	v1 =	vld [tilespmem:s5+$0x280];
	v3 =	vadd.f32 v3, v5  }
0x14d: {  	v10 =	vadd.f32 v10, v5  }
0x14e: {  	v62 =	vld [tilespmem:s5+$0x300];
	v11 =	vadd.f32 v11, v5;
	[tilespmem:s29+$0x280] =	vst v3  }
0x14f: {  	v3 =	vadd.f32 v8, v6;
	[tilespmem:s28+$0x280] =	vst v10;
	v6 =	vld [tilespmem:s29+$0x300];
	v8 =	vadd.f32 v9, v4  }
0x150: {  	[tilespmem:s30+$0x280] =	vst v11;
	v9 =	vld [tilespmem:s28+$0x300];
	v7 =	vadd.f32 v7, v4;
	v2 =	vadd.f32 v2, v4  }
0x151: {  	[tilespmem:s31+$0x280] =	vst v3;
	v1 =	vadd.f32 v1, v4;
	v4 =	vadd.f32 v61, v5;
	v5 =	vld [tilespmem:s7+$0x300]  }
0x152: {  	v3 =	vld [tilespmem:s13+$0x300];
	[tilespmem:s1+$0x280] =	vst v7  }
0x153: {  	v7 =	vld [tilespmem:s9+$0x300];
	[tilespmem:s0+$0x280] =	vst v2  }
0x154: {  	[tilespmem:s26+$0x280] =	vst v4;
	v2 =	vld [tilespmem:s6+$0x300]  }
0x155: {  	v4 =	vld [tilespmem:s10+$0x300]  }
0x156: {  	v10 =	vld [tilespmem:s30+$0x300]  }
0x157: {  	v11 =	vld [tilespmem:s12+$0x300];
	[tilespmem:s12+$0x280] =	vst v8;
	v5 =	vadd.f32 v5, v3  }
0x158: {  	v8 =	vld [tilespmem:s31+$0x300];
	[tilespmem:s5+$0x280] =	vst v1;
	v7 =	vadd.f32 v7, v3  }
0x159: {  	v1 =	vld [tilespmem:s11+$0x300];
	v2 =	vadd.f32 v2, v3;
	[tilespmem:s7+$0x300] =	vst v5  }
0x15a: {  	v5 =	vld [tilespmem:s1+$0x300];
	v6 =	vadd.f32 v6, v4;
	[tilespmem:s9+$0x300] =	vst v7  }
0x15b: {  	v9 =	vadd.f32 v9, v4;
	v7 =	vld [tilespmem:s0+$0x300];
	[tilespmem:s6+$0x300] =	vst v2  }
0x15c: {  	v63 =	vld [tilespmem:s26+$0x300];
	v10 =	vadd.f32 v10, v4;
	[tilespmem:s29+$0x300] =	vst v6  }
0x15d: {  	v14 =	vld [tilespmem:s30+$0x380];
	v2 =	vadd.f32 v8, v3;
	[tilespmem:s28+$0x300] =	vst v9  }
0x15e: {  	v3 =	vadd.f32 v11, v1;
	v8 =	vld [tilespmem:s31+$0x380];
	[tilespmem:s30+$0x300] =	vst v10  }
0x15f: {  	v9 =	vld [tilespmem:s29+$0x380];
	[tilespmem:s31+$0x300] =	vst v2;
	v5 =	vadd.f32 v5, v1  }
0x160: {  	[tilespmem:s12+$0x300] =	vst v3;
	v2 =	vld [tilespmem:s13+$0x380];
	v6 =	vadd.f32 v7, v1  }
0x161: {  	v3 =	vadd.f32 v62, v1;
	v1 =	vadd.f32 v63, v4;
	v4 =	vld [tilespmem:s7+$0x380];
	[tilespmem:s1+$0x300] =	vst v5  }
0x162: {  	v5 =	vld [tilespmem:s9+$0x380];
	[tilespmem:s0+$0x300] =	vst v6  }
0x163: {  	[tilespmem:s26+$0x300] =	vst v1;
	v6 =	vld [tilespmem:s6+$0x380]  }
0x164: {  	v1 =	vld [tilespmem:s10+$0x380]  }
0x165: {  	p0 =	slt.u32 s14, $0x3C0;
	v10 =	vld [tilespmem:s28+$0x380]  }
.Ltmp0:
0x166: {  	[tilespmem:s5+$0x300] =	vst v3;
	v7 =	vld [tilespmem:s12+$0x380];
	v4 =	vadd.f32 v4, v2;
	(pc) =	sbr.rel @p0 .LBB2_3-.Ltmp0, $4  }
0x167: {  	v3 =	vld [tilespmem:s11+$0x380];
	v5 =	vadd.f32 v5, v2  }
0x168: {  	[tilespmem:s7+$0x380] =	vst v4;
	v4 =	vadd.f32 v6, v2;
	v6 =	vld [tilespmem:s1+$0x380]  }
0x169: {  	v11 =	vadd.f32 v9, v1;
	[tilespmem:s9+$0x380] =	vst v5;
	v5 =	vld [tilespmem:s0+$0x380]  }
0x16a: {  	s16 =	smov.u32 s14;
	v10 =	vadd.f32 v10, v1;
	v9 =	vadd.f32 v14, v1;
	[tilespmem:s6+$0x380] =	vst v4;
	v4 =	vld [tilespmem:s5+$0x380]  }
0x16b: {  	[tilespmem:s29+$0x380] =	vst v11  }
0x16c: {  	v2 =	vadd.f32 v8, v2;
	v57 =	vld [tilespmem:s25+$0x380];
	[tilespmem:s28+$0x380] =	vst v10  }
0x16d: {  	v58 =	vld [tilespmem:s24+$0x380];
	v7 =	vadd.f32 v7, v3;
	[tilespmem:s30+$0x380] =	vst v9  }
0x16e: {  	v6 =	vadd.f32 v6, v3;
	[tilespmem:s31+$0x380] =	vst v2  }
0x16f: {  	v59 =	vld [tilespmem:s20+$0x380];
	v5 =	vadd.f32 v5, v3;
	[tilespmem:s12+$0x380] =	vst v7  }
0x170: {  	v9 =	vld [tilespmem:s26+$0x380];
	v60 =	vadd.f32 v4, v3;
	[tilespmem:s1+$0x380] =	vst v6  }
0x171: {  	v61 =	vadd.f32 v57, v0;
	[tilespmem:s0+$0x380] =	vst v5  }
0x172: {  	v62 =	vadd.f32 v58, v0;
	[tilespmem:s5+$0x380] =	vst v60  }
0x173: {  	[tilespmem:s25+$0x380] =	vst v61  }
0x174: {  	v63 =	vadd.f32 v59, v0;
	[tilespmem:s24+$0x380] =	vst v62  }
0x175: {  	v1 =	vadd.f32 v9, v1;
	s5 =	rddreg [dreg:$0x8]  }
0x176: {  	s0 =	rddreg [dreg:$0xb];
	[tilespmem:s20+$0x380] =	vst v63  }
0x177: {  	[tilespmem:s26+$0x380] =	vst v1  }
0x178: {  	s6 =	rddreg [dreg:$0xc]  }
0x179: {  	p0 =	sne.s32 s6, $0x20  }
.Ltmp1:
0x17a: {  	_ = 	snop;
	(pc) =	sbr.rel @p0 .LBB2_2-.Ltmp1, $4  }
0x17b: {  	s2 =	rddreg [dreg:$0x2];
	s3 =	simm.s32 $0x800000;
	s0 =	sadd.s32 s5, s0  }
0x17c: {  	s31 =	simm.s32 $0x2000;
	s0 =	sshll.u32 s0, $0xA;
	s1 =	rddreg [dreg:$0xd]  }
0x17d: {  	s4 =	rddreg [dreg:$0x4];
	s1 =	sadd.s32 $0x3, s1;
	s0 =	sadd.s32 s2, s0  }
0x17e: {  	[hbm4b:s0+s31] =	stream.strided.scatter [tilespmem:s4], [sflag:s1], $0x8000, s3, s31, $0x38;
	[tilespmem:$0x14000] =	vst v63  }
0x17f: {  	s0 =	simm.s32 $0x3  }
0x180: {  	_ =	swait.ge [sflag:s0], $0x8000  }
0x181: {  	[sflag:s0] =	ssyncset.done $0x0  }
0x182: {  	s1 =	simm.s32 $0x6;
	[sflag:s0] =	ssyncadd.s32 $0xFFFF8000  }
0x183: {  	_ =	swait.ge [sflag:s1], $0x8000  }
0x184: {  	s2 =	rddreg [dreg:$0xa]  }
0x185: {  	s31 =	rddreg [dreg:$0x9];
	s2 =	sadd.s32 $0x1, s2  }
0x186: {  	p0 =	sne.s32 s2, s31  }
.Ltmp2:
0x187: {  	_ = 	snop;
	(pc) =	sbr.rel @p0 .LBB2_1-.Ltmp2, $3  }
0x188: {  	_ =	sdelay $0x1  }
0x189: {  	[sflag:s1] =	ssyncset.done $0x0  }
0x18a: {  	[sflag:s1] =	ssyncadd.s32 $0xFFFF8000  }
0x18b: {  	_ =	sfence.sel $0x180000  }
0x18c: {  	[bflag:$0x0] =	sbarrier.arrive $0xFFFF  }
0x18d: {  	_ =	strace $0x90000047  }
0x18e: {  	s0 =	stileid.u32;
	[bflag:$0x2] =	sbarrier.arrive $0xFFFF  }
0x18f: {  	p0 =	sne.s32 s0, $0x0;
	s0 =	rddreg [dreg:$0x3]  }
0x190: {  	s0 =	sadd.s32 @!p0 $0x100000, s0  }
0x191: {  	[sflag:s0] =	ssyncadd.tile.s32 @!p0 $0x1;
	_ =	shalt  }
.Lfunc_end2:
_tile_overlayer_lowered:
.L_overlay_start_2:
0x192: {  	(tag) =	ssettag $0x2  }
0x193: {  	s0 =	rddreg [dreg:$0x0];
	s2 =	stileid.u32  }
0x194: {  	s1 =	rddreg [dreg:$0x1];
	p0 =	sne.s32 s2, $0x0  }
0x195: {  	s3 =	rddreg [dreg:$0x2];
	[bflag:$0x3] =	sbarrier.arrive $0xFFFF;
	s2 =	simm.s32 @!p0 $0x1C07  }
0x196: {  	[timem:s3], [sflag:s2] =	dma.local @!p0 [hbm:s0], s1  }
0x197: {  	s0 =	simm.s32 @!p0 $0x7  }
0x198: {  	_ =	swait.ge @!p0 [sflag:s0], s1  }
0x199: {  	s1 =	ssub.s32 @!p0 $0x0, s1;
	[sflag:s0] =	ssyncset.done @!p0 $0x0  }
0x19a: {  	[sflag:s0] =	ssyncadd.s32 @!p0 s1  }
0x19b: {  	[bflag:$0x3] =	sbarrier.arrive $0xFFFF  }
0x19c: {  	_ =	shalt  }

</sc_bundles>
